<compile_context>
chip_gen: v7x
topology: tpu7x:2x2x1
jax: 0.10.2.dev20260603
libtpu: 0.0.44.dev20260713+nightly
codegen_flags: <defaults>
</compile_context>

<pallas_src>
import jax
import jax.numpy as jnp
from jax import lax
from jax.experimental import pallas as pl
from jax.experimental.pallas import tpu as pltpu
from jax.experimental.pallas import tpu_sc as plsc

N = 10000
E = 320000
D = 128
NC, NS = 2, 16
NW = NC * NS
CE = 128
NCH = E // CE
BASE = NCH // NW
EXTRA = NCH % NW
MAXCH = BASE + 1
NPAD = 10240
HPT = NPAD // NS

_mesh = plsc.VectorSubcoreMesh(core_axis_name="c", subcore_axis_name="s")
_sc_params = pltpu.CompilerParams(use_tc_tiling_on_sc=False)


def _hist_body(ei_hbm, out_hbm, dstv, ones_v, zrow_v, slab_v, deg_v, acc, sem):
    c = lax.axis_index("c")
    s = lax.axis_index("s")
    w = c * NS + s
    q0 = BASE * w + jnp.minimum(w, EXTRA)
    ncw = BASE + (w < EXTRA).astype(jnp.int32)

    def fill(j, _):
        ones_v[j] = jnp.full((16,), 1.0, jnp.float32)
        return 0

    lax.fori_loop(0, CE, fill, 0)

    def zfill(j, _):
        zrow_v[j] = jnp.zeros((16,), jnp.float32)
        return 0

    lax.fori_loop(0, 128, zfill, 0)

    pltpu.sync_copy(ei_hbm.at[pl.ds(NCH + q0, BASE)], dstv.at[pl.ds(0, BASE)])

    @pl.when(ncw > BASE)
    def _():
        pltpu.sync_copy(ei_hbm.at[pl.ds(NCH + q0 + BASE, 1)], dstv.at[pl.ds(BASE, 1)])

    def zslab(k, _):
        pltpu.sync_copy(zrow_v, acc.at[pl.ds(s * HPT + k * 128, 128)])
        return 0

    lax.fori_loop(0, HPT // 128, zslab, 0)
    plsc.subcore_barrier()

    G = 8

    def grp(g, _):
        for t in range(G):
            idx = g * G + t

            @pl.when(idx < ncw)
            def _():
                pltpu.async_copy(ones_v, acc.at[dstv.at[idx]], sem, add=True)

        for t in range(G):
            idx = g * G + t

            @pl.when(idx < ncw)
            def _():
                pltpu.make_async_copy(ones_v, acc.at[pl.ds(0, CE)], sem).wait()

        return 0

    lax.fori_loop(0, (MAXCH + G - 1) // G, grp, 0)
    plsc.subcore_barrier()

    pltpu.sync_copy(acc.at[pl.ds(s * HPT, HPT)], slab_v)
    lane = lax.iota(jnp.int32, 16)

    def ext(g, _):
        v = jnp.zeros((16,), jnp.float32)
        for r in range(16):
            v = jnp.where(lane == r, slab_v[g * 16 + r], v)
        deg_v[pl.ds(g * 16, 16)] = v
        return 0

    lax.fori_loop(0, HPT // 16, ext, 0)
    pltpu.sync_copy(deg_v, out_hbm.at[pl.ds(c * NPAD + s * HPT, HPT)])


_hist = pl.kernel(
    _hist_body,
    out_type=jax.ShapeDtypeStruct((NC * NPAD,), jnp.float32),
    mesh=_mesh,
    compiler_params=_sc_params,
    scratch_types=[
        pltpu.VMEM((MAXCH, CE), jnp.int32),
        pltpu.VMEM((CE, 16), jnp.float32),
        pltpu.VMEM((128, 16), jnp.float32),
        pltpu.VMEM((HPT, 16), jnp.float32),
        pltpu.VMEM((HPT,), jnp.float32),
        pltpu.VMEM_SHARED((NPAD, 16), jnp.float32),
        pltpu.SemaphoreType.DMA,
    ],
)


NBUF = 4


def _scatter_body(y_hbm, ei_hbm, out_hbm, srcv, dstv, r0b, r1b, r2b, r3b, acc,
                  s0, s1, s2, s3):
    c = lax.axis_index("c")
    s = lax.axis_index("s")
    w = c * NS + s
    q0 = BASE * w + jnp.minimum(w, EXTRA)
    ncw = BASE + (w < EXTRA).astype(jnp.int32)
    bufs = (r0b, r1b, r2b, r3b)
    sems = (s0, s1, s2, s3)

    @pl.when(c == 0)
    def _():
        def yslab(k, _):
            r0 = s * HPT + k * 128
            pltpu.sync_copy(y_hbm.at[pl.ds(r0, 128)], r0b)
            pltpu.sync_copy(r0b, acc.at[pl.ds(r0, 128)])
            return 0

        lax.fori_loop(0, HPT // 128, yslab, 0)

    @pl.when(c == 1)
    def _():
        def zfill(j, _):
            for k in range(D // 32):
                r0b[j, pl.ds(k * 32, 32)] = jnp.zeros((32,), jnp.bfloat16)
            return 0

        lax.fori_loop(0, CE, zfill, 0)

        def zslab(k, _):
            pltpu.sync_copy(r0b, acc.at[pl.ds(s * HPT + k * 128, 128)])
            return 0

        lax.fori_loop(0, HPT // 128, zslab, 0)

    pltpu.sync_copy(ei_hbm.at[pl.ds(q0, BASE)], srcv.at[pl.ds(0, BASE)])
    pltpu.sync_copy(ei_hbm.at[pl.ds(NCH + q0, BASE)], dstv.at[pl.ds(0, BASE)])

    @pl.when(ncw > BASE)
    def _():
        pltpu.sync_copy(ei_hbm.at[pl.ds(q0 + BASE, 1)], srcv.at[pl.ds(BASE, 1)])
        pltpu.sync_copy(ei_hbm.at[pl.ds(NCH + q0 + BASE, 1)], dstv.at[pl.ds(BASE, 1)])

    plsc.subcore_barrier()

    for t in range(NBUF):
        pltpu.async_copy(y_hbm.at[srcv.at[t]], bufs[t], sems[t])

    def grp(jj, _):
        j0 = jj * NBUF
        for t in range(NBUF):
            idx = j0 + t

            @pl.when(idx < ncw)
            def _():
                pltpu.make_async_copy(y_hbm.at[pl.ds(0, CE)], bufs[t], sems[t]).wait()
                pltpu.sync_copy(bufs[t], acc.at[dstv.at[idx]], add=True)

            @pl.when(idx + NBUF < ncw)
            def _():
                pltpu.async_copy(y_hbm.at[srcv.at[idx + NBUF]], bufs[t], sems[t])

        return 0

    lax.fori_loop(0, (MAXCH + NBUF - 1) // NBUF, grp, 0)
    plsc.subcore_barrier()

    def cpout(k, _):
        r0 = s * HPT + k * 128
        pltpu.sync_copy(acc.at[pl.ds(r0, 128)], out_hbm.at[c, pl.ds(r0, 128)])
        return 0

    lax.fori_loop(0, HPT // 128, cpout, 0)


_scatter = pl.kernel(
    _scatter_body,
    out_type=jax.ShapeDtypeStruct((NC, NPAD, D), jnp.bfloat16),
    mesh=_mesh,
    compiler_params=_sc_params,
    scratch_types=[
        pltpu.VMEM((MAXCH, CE), jnp.int32),
        pltpu.VMEM((MAXCH, CE), jnp.int32),
        pltpu.VMEM((CE, D), jnp.bfloat16),
        pltpu.VMEM((CE, D), jnp.bfloat16),
        pltpu.VMEM((CE, D), jnp.bfloat16),
        pltpu.VMEM((CE, D), jnp.bfloat16),
        pltpu.VMEM_SHARED((NPAD, D), jnp.bfloat16),
        pltpu.SemaphoreType.DMA,
        pltpu.SemaphoreType.DMA,
        pltpu.SemaphoreType.DMA,
        pltpu.SemaphoreType.DMA,
    ],
)


def _mm_body(x_ref, w_ref, xw_ref):
    xw_ref[...] = jnp.dot(x_ref[...], w_ref[...], preferred_element_type=jnp.float32)


_mm = pl.pallas_call(
    _mm_body,
    out_shape=jax.ShapeDtypeStruct((N, D), jnp.float32),
)


def _scale_body(xw_ref, h_ref, y_ref, dinv_ref):
    h = h_ref[...]
    deg = 1.0 + h[0:NPAD] + h[NPAD : 2 * NPAD]
    dinv = lax.rsqrt(deg)[0:N]
    y_ref[0:N, :] = (xw_ref[...] * dinv[:, None]).astype(jnp.bfloat16)
    y_ref[N:NPAD, :] = jnp.zeros((NPAD - N, D), jnp.bfloat16)
    dinv_ref[...] = dinv


_scale = pl.pallas_call(
    _scale_body,
    out_shape=(
        jax.ShapeDtypeStruct((NPAD, D), jnp.bfloat16),
        jax.ShapeDtypeStruct((N,), jnp.float32),
    ),
)


def _bn_body(p_ref, dinv_ref, b_ref, g_ref, bt_ref, o_ref):
    tot = p_ref[0, 0:N, :].astype(jnp.float32) + p_ref[1, 0:N, :].astype(jnp.float32)
    pre = tot * dinv_ref[...][:, None] + b_ref[...][None, :]
    mean = jnp.mean(pre, axis=0)
    cen = pre - mean[None, :]
    var = jnp.mean(cen * cen, axis=0)
    o = cen * lax.rsqrt(var + 1e-5)[None, :] * g_ref[...][None, :] + bt_ref[...][None, :]
    o_ref[...] = jnp.where(o >= 0, o, 0.01 * o)


_bn = pl.pallas_call(
    _bn_body,
    out_shape=jax.ShapeDtypeStruct((N, D), jnp.float32),
)


def kernel(x, edge_index, W, b, gamma, beta):
    ei = jnp.reshape(edge_index.astype(jnp.int32), (2 * NCH, CE))
    hist = _hist(ei)
    xw = _mm(x, W)
    y, dinv = _scale(xw, hist)
    p = _scatter(y, ei)
    return _bn(p, dinv, b, gamma, beta)

# --- scband reference (transcript-rebuilt; emitter-appended) ---
"""Pipeline reference for scband-gnnbasic-block-41145786695988 (READ-ONLY COPY).

The authoritative reference and input builder live on the scoring server;
editing this copy changes nothing except your own understanding.
"""

import jax, jax.numpy as jnp
import numpy as np

N_NODES = 10000
N_EDGES = 320000
D_IN = 128
D_OUT = 128

def setup_inputs(seed: int = 0) -> dict:
    key = jax.random.key(seed)
    k1, k2, k3, k4 = jax.random.split(key, 4)
    x = jax.random.normal(k1, (N_NODES, D_IN), dtype=jnp.float32)
    edge_index = jax.random.randint(k2, (2, N_EDGES), 0, N_NODES, dtype=jnp.int64)
    # GCNConv weight (glorot) and bias
    limit = float(np.sqrt(6.0 / (D_IN + D_OUT)))
    W = jax.random.uniform(k3, (D_IN, D_OUT), minval=-limit, maxval=limit, dtype=jnp.float32)
    b = jnp.zeros((D_OUT,), dtype=jnp.float32)
    # BatchNorm1d params (train-mode batch statistics used in forward)
    gamma = jnp.ones((D_OUT,), dtype=jnp.float32)
    beta = jnp.zeros((D_OUT,), dtype=jnp.float32)
    return {"x": x, "edge_index": edge_index, "W": W, "b": b, "gamma": gamma, "beta": beta}

def reference(x, edge_index, W, b, gamma, beta):
    # GCNConv: add self-loops, symmetric normalization D^{-1/2} (A+I) D^{-1/2} X W + b
    n = x.shape[0]
    loop = jnp.arange(n, dtype=edge_index.dtype)
    src = jnp.concatenate([edge_index[0], loop])
    dst = jnp.concatenate([edge_index[1], loop])
    deg = jax.ops.segment_sum(jnp.ones_like(dst, dtype=x.dtype), dst, num_segments=n)
    dinv = jnp.where(deg > 0, jax.lax.rsqrt(deg), 0.0)
    norm = dinv[src] * dinv[dst]
    xw = x @ W
    msgs = xw[src] * norm[:, None]
    out = jax.ops.segment_sum(msgs, dst, num_segments=n) + b
    # BatchNorm1d (training mode: batch statistics, biased variance)
    mean = jnp.mean(out, axis=0)
    var = jnp.mean((out - mean) ** 2, axis=0)
    out = (out - mean) * jax.lax.rsqrt(var + 1e-5) * gamma + beta
    # leaky_relu (default negative_slope=0.01)
    out = jnp.where(out >= 0, out, 0.01 * out)
    return out

if __name__ == "__main__":
    import jax
    _d = setup_inputs()
    print(jax.jit(kernel)(*tuple(_d.values())))

</pallas_src>

<mosaic_0001>
#map = affine_map<(d0, d1) -> (0, 0)>
#map1 = affine_map<(d0, d1) -> (0)>
module attributes {stable_mosaic.version = 14 : i64} {
  func.func @_hist_body(%arg0: i32, %arg1: i32, %arg2: memref<5000x128xi32, #tpu.memory_space<hbm>>, %arg3: memref<20480xf32, #tpu.memory_space<hbm>>, %arg4: memref<79x128xi32, #tpu.memory_space<vmem>>, %arg5: memref<128x16xf32, #tpu.memory_space<vmem>>, %arg6: memref<128x16xf32, #tpu.memory_space<vmem>>, %arg7: memref<640x16xf32, #tpu.memory_space<vmem>>, %arg8: memref<640xf32, #tpu.memory_space<vmem>>, %arg9: memref<10240x16xf32, #tpu.memory_space<vmem_shared>>, %arg10: memref<!tpu.dma_semaphore, #tpu.memory_space<semaphore_mem>>) attributes {dimension_semantics = [#tpu.dimension_semantics<core_parallel>, #tpu.dimension_semantics<subcore_parallel>], iteration_bounds = array<i64: 2, 16>, scalar_prefetch = 0 : i64, scratch_operands = 7 : i64, tpu.core_type = #tpu.core_type<sc_vector_subcore>, window_params = [{transform_indices = #map}, {transform_indices = #map1}]} {
    %mul3A = arith.constant 16 : i32
    %mul3A_0 = arith.muli %arg0, %mul3A : i32
    %add3A = arith.addi %mul3A_0, %arg1 : i32
    %mul3A_1 = arith.constant 78 : i32
    %mul3A_2 = arith.muli %mul3A_1, %add3A : i32
    %min3A = arith.constant 4 : i32
    %min3A_3 = arith.minsi %add3A, %min3A : i32
    %add3A_4 = arith.addi %mul3A_2, %min3A_3 : i32
    %lt3A = arith.constant 4 : i32
    %lt3A_5 = arith.cmpi slt, %add3A, %lt3A : i32
    %convert_element_type3A = arith.extui %lt3A_5 : i1 to i32
    %add3A_6 = arith.constant 78 : i32
    %add3A_7 = arith.addi %add3A_6, %convert_element_type3A : i32
    %scan3A = arith.constant 0 : i32
    %scan3A_8 = arith.constant 0 : i32
    %scan3A_9 = arith.constant 128 : i32
    %scan3A_10 = arith.addi %scan3A_8, %scan3A_9 : i32
    %scan3A_11 = arith.constant 1 : i32
    %scan3A_12 = scf.for %scan3A_55 = %scan3A_8 to %scan3A_10 step %scan3A_11 iter_args(%scan3A_56 = %scan3A) -> (i32)  : i32 {
      %broadcast_in_dim3A = arith.constant 1.000000e+00 : f32
      %broadcast_in_dim3A_57 = vector.broadcast %broadcast_in_dim3A : f32 to vector<16xf32>
      %swap3A = arith.index_cast %scan3A_55 : i32 to index
      %swap3A_58 = arith.constant 0 : index
      %swap3A_59 = tpu.vector_load %arg5[%swap3A, %swap3A_58] {strides = array<i32>} : memref<128x16xf32, #tpu.memory_space<vmem>>, vector<1x16xf32>,
      %swap3A_60 = vector.shape_cast %swap3A_59 : vector<1x16xf32> to vector<16xf32>
      %swap3A_61 = vector.shape_cast %broadcast_in_dim3A_57 : vector<16xf32> to vector<1x16xf32>
      tpu.vector_store %arg5[%swap3A, %swap3A_58], %swap3A_61 {strides = array<i32>} : memref<128x16xf32, #tpu.memory_space<vmem>>, vector<1x16xf32>,
      %scan3A_62 = arith.constant 0 : i32
      scf.yield %scan3A_62 : i32
    }
    %scan3A_13 = arith.constant 128 : i32
    %scan3A_14 = arith.constant 0 : i32
    %scan3A_15 = arith.constant 0 : i32
    %scan3A_16 = arith.constant 128 : i32
    %scan3A_17 = arith.addi %scan3A_15, %scan3A_16 : i32
    %scan3A_18 = arith.constant 1 : i32
    %scan3A_19 = scf.for %scan3A_55 = %scan3A_15 to %scan3A_17 step %scan3A_18 iter_args(%scan3A_56 = %scan3A_14) -> (i32)  : i32 {
      %broadcast_in_dim3A = arith.constant 0.000000e+00 : f32
      %broadcast_in_dim3A_57 = vector.broadcast %broadcast_in_dim3A : f32 to vector<16xf32>
      %swap3A = arith.index_cast %scan3A_55 : i32 to index
      %swap3A_58 = arith.constant 0 : index
      %swap3A_59 = tpu.vector_load %arg6[%swap3A, %swap3A_58] {strides = array<i32>} : memref<128x16xf32, #tpu.memory_space<vmem>>, vector<1x16xf32>,
      %swap3A_60 = vector.shape_cast %swap3A_59 : vector<1x16xf32> to vector<16xf32>
      %swap3A_61 = vector.shape_cast %broadcast_in_dim3A_57 : vector<16xf32> to vector<1x16xf32>
      tpu.vector_store %arg6[%swap3A, %swap3A_58], %swap3A_61 {strides = array<i32>} : memref<128x16xf32, #tpu.memory_space<vmem>>, vector<1x16xf32>,
      %scan3A_62 = arith.constant 0 : i32
      scf.yield %scan3A_62 : i32
    }
    %scan3A_20 = arith.constant 128 : i32
    %add3A_21 = arith.constant 2500 : i32
    %add3A_22 = arith.addi %add3A_21, %add3A_4 : i32
    "tpu.region"() ({
      %run_scoped3A = tpu.sem_alloc : memref<!tpu.dma_semaphore, #tpu.memory_space<semaphore_mem>>
      %dma_start3A = arith.constant 0 : i32
      %dma_start3A_55 = arith.constant 0 : i32
      %dma_start3A_56 = tpu.memref_slice %arg4[%dma_start3A, %dma_start3A_55] : memref<79x128xi32, #tpu.memory_space<vmem>> -> memref<78x128xi32, #tpu.memory_space<vmem>>
      %dma_start3A_57 = arith.constant 0 : i32
      %dma_start3A_58 = tpu.memref_slice %arg2[%add3A_22, %dma_start3A_57] : memref<5000x128xi32, #tpu.memory_space<hbm>> -> memref<78x128xi32, #tpu.memory_space<hbm>>
      %dma_start3A_59 = arith.constant 0 : i32
      %dma_start3A_60 = arith.constant 0 : i32
      %dma_start3A_61 = tpu.memref_slice %arg4[%dma_start3A_59, %dma_start3A_60] : memref<79x128xi32, #tpu.memory_space<vmem>> -> memref<78x128xi32, #tpu.memory_space<vmem>>
      %dma_start3A_62 = arith.constant 0 : i32
      %dma_start3A_63 = tpu.memref_slice %arg2[%add3A_22, %dma_start3A_62] : memref<5000x128xi32, #tpu.memory_space<hbm>> -> memref<78x128xi32, #tpu.memory_space<hbm>>
      tpu.enqueue_dma source(%dma_start3A_63 : memref<78x128xi32, #tpu.memory_space<hbm>>) target(%dma_start3A_61 : memref<78x128xi32, #tpu.memory_space<vmem>>) target_semaphore(%run_scoped3A : memref<!tpu.dma_semaphore, #tpu.memory_space<semaphore_mem>>)
      %dma_wait3A = arith.constant 0 : i32
      %dma_wait3A_64 = arith.constant 0 : i32
      %dma_wait3A_65 = tpu.memref_slice %arg4[%dma_wait3A, %dma_wait3A_64] : memref<79x128xi32, #tpu.memory_space<vmem>> -> memref<78x128xi32, #tpu.memory_space<vmem>>
      %dma_wait3A_66 = arith.constant 0 : i32
      %dma_wait3A_67 = tpu.memref_slice %arg2[%add3A_22, %dma_wait3A_66] : memref<5000x128xi32, #tpu.memory_space<hbm>> -> memref<78x128xi32, #tpu.memory_space<hbm>>
      %dma_wait3A_68 = arith.constant 0 : i32
      %dma_wait3A_69 = arith.constant 0 : i32
      %dma_wait3A_70 = tpu.memref_slice %arg4[%dma_wait3A_68, %dma_wait3A_69] : memref<79x128xi32, #tpu.memory_space<vmem>> -> memref<78x128xi32, #tpu.memory_space<vmem>>
      %dma_wait3A_71 = arith.constant 0 : i32
      %dma_wait3A_72 = tpu.memref_slice %arg2[%add3A_22, %dma_wait3A_71] : memref<5000x128xi32, #tpu.memory_space<hbm>> -> memref<78x128xi32, #tpu.memory_space<hbm>>
      tpu.wait_dma2 semaphore(%run_scoped3A : memref<!tpu.dma_semaphore, #tpu.memory_space<semaphore_mem>>) src(%dma_wait3A_72 : memref<78x128xi32, #tpu.memory_space<hbm>>) dst(%dma_wait3A_70 : memref<78x128xi32, #tpu.memory_space<vmem>>)
      tpu.yield
    }) : () -> ()
    %gt3A = arith.constant 78 : i32
    %gt3A_23 = arith.cmpi sgt, %add3A_7, %gt3A : i32
    %convert_element_type3A_24 = arith.extui %gt3A_23 : i1 to i32
    %cond3A = arith.constant 0 : i32
    %cond3A_25 = arith.cmpi ne, %convert_element_type3A_24, %cond3A : i32
    scf.if %cond3A_25 {
      %add3A_55 = arith.constant 2500 : i32
      %add3A_56 = arith.addi %add3A_55, %add3A_4 : i32
      %add3A_57 = arith.constant 78 : i32
      %add3A_58 = arith.addi %add3A_56, %add3A_57 : i32
      "tpu.region"() ({
        %run_scoped3A = tpu.sem_alloc : memref<!tpu.dma_semaphore, #tpu.memory_space<semaphore_mem>>
        %dma_start3A = arith.constant 78 : i32
        %dma_start3A_59 = arith.constant 0 : i32
        %dma_start3A_60 = tpu.memref_slice %arg4[%dma_start3A, %dma_start3A_59] : memref<79x128xi32, #tpu.memory_space<vmem>> -> memref<1x128xi32, #tpu.memory_space<vmem>>
        %dma_start3A_61 = arith.constant 0 : i32
        %dma_start3A_62 = tpu.memref_slice %arg2[%add3A_58, %dma_start3A_61] : memref<5000x128xi32, #tpu.memory_space<hbm>> -> memref<1x128xi32, #tpu.memory_space<hbm>>
        %dma_start3A_63 = arith.constant 78 : i32
        %dma_start3A_64 = arith.constant 0 : i32
        %dma_start3A_65 = tpu.memref_slice %arg4[%dma_start3A_63, %dma_start3A_64] : memref<79x128xi32, #tpu.memory_space<vmem>> -> memref<1x128xi32, #tpu.memory_space<vmem>>
        %dma_start3A_66 = arith.constant 0 : i32
        %dma_start3A_67 = tpu.memref_slice %arg2[%add3A_58, %dma_start3A_66] : memref<5000x128xi32, #tpu.memory_space<hbm>> -> memref<1x128xi32, #tpu.memory_space<hbm>>
        tpu.enqueue_dma source(%dma_start3A_67 : memref<1x128xi32, #tpu.memory_space<hbm>>) target(%dma_start3A_65 : memref<1x128xi32, #tpu.memory_space<vmem>>) target_semaphore(%run_scoped3A : memref<!tpu.dma_semaphore, #tpu.memory_space<semaphore_mem>>)
        %dma_wait3A = arith.constant 78 : i32
        %dma_wait3A_68 = arith.constant 0 : i32
        %dma_wait3A_69 = tpu.memref_slice %arg4[%dma_wait3A, %dma_wait3A_68] : memref<79x128xi32, #tpu.memory_space<vmem>> -> memref<1x128xi32, #tpu.memory_space<vmem>>
        %dma_wait3A_70 = arith.constant 0 : i32
        %dma_wait3A_71 = tpu.memref_slice %arg2[%add3A_58, %dma_wait3A_70] : memref<5000x128xi32, #tpu.memory_space<hbm>> -> memref<1x128xi32, #tpu.memory_space<hbm>>
        %dma_wait3A_72 = arith.constant 78 : i32
        %dma_wait3A_73 = arith.constant 0 : i32
        %dma_wait3A_74 = tpu.memref_slice %arg4[%dma_wait3A_72, %dma_wait3A_73] : memref<79x128xi32, #tpu.memory_space<vmem>> -> memref<1x128xi32, #tpu.memory_space<vmem>>
        %dma_wait3A_75 = arith.constant 0 : i32
        %dma_wait3A_76 = tpu.memref_slice %arg2[%add3A_58, %dma_wait3A_75] : memref<5000x128xi32, #tpu.memory_space<hbm>> -> memref<1x128xi32, #tpu.memory_space<hbm>>
        tpu.wait_dma2 semaphore(%run_scoped3A : memref<!tpu.dma_semaphore, #tpu.memory_space<semaphore_mem>>) src(%dma_wait3A_76 : memref<1x128xi32, #tpu.memory_space<hbm>>) dst(%dma_wait3A_74 : memref<1x128xi32, #tpu.memory_space<vmem>>)
        tpu.yield
      }) : () -> ()
    } else {
    }
    %scan3A_26 = arith.constant 0 : i32
    %scan3A_27 = arith.constant 0 : i32
    %scan3A_28 = arith.constant 5 : i32
    %scan3A_29 = arith.addi %scan3A_27, %scan3A_28 : i32
    %scan3A_30 = arith.constant 1 : i32
    %scan3A_31 = scf.for %scan3A_55 = %scan3A_27 to %scan3A_29 step %scan3A_30 iter_args(%scan3A_56 = %scan3A_26) -> (i32)  : i32 {
      %mul3A_57 = arith.constant 640 : i32
      %mul3A_58 = arith.muli %arg1, %mul3A_57 : i32
      %mul3A_59 = arith.constant 128 : i32
      %mul3A_60 = arith.muli %scan3A_55, %mul3A_59 : i32
      %add3A_61 = arith.addi %mul3A_58, %mul3A_60 : i32
      "tpu.region"() ({
        %run_scoped3A = tpu.sem_alloc : memref<!tpu.dma_semaphore, #tpu.memory_space<semaphore_mem>>
        %dma_start3A = arith.constant 0 : i32
        %dma_start3A_63 = tpu.memref_slice %arg9[%add3A_61, %dma_start3A] : memref<10240x16xf32, #tpu.memory_space<vmem_shared>> -> memref<128x16xf32, #tpu.memory_space<vmem_shared>>
        %dma_start3A_64 = arith.constant 0 : i32
        %dma_start3A_65 = tpu.memref_slice %arg9[%add3A_61, %dma_start3A_64] : memref<10240x16xf32, #tpu.memory_space<vmem_shared>> -> memref<128x16xf32, #tpu.memory_space<vmem_shared>>
        tpu.enqueue_dma source(%arg6 : memref<128x16xf32, #tpu.memory_space<vmem>>) target(%dma_start3A_65 : memref<128x16xf32, #tpu.memory_space<vmem_shared>>) target_semaphore(%run_scoped3A : memref<!tpu.dma_semaphore, #tpu.memory_space<semaphore_mem>>)
        %dma_wait3A = arith.constant 0 : i32
        %dma_wait3A_66 = tpu.memref_slice %arg9[%add3A_61, %dma_wait3A] : memref<10240x16xf32, #tpu.memory_space<vmem_shared>> -> memref<128x16xf32, #tpu.memory_space<vmem_shared>>
        %dma_wait3A_67 = arith.constant 0 : i32
        %dma_wait3A_68 = tpu.memref_slice %arg9[%add3A_61, %dma_wait3A_67] : memref<10240x16xf32, #tpu.memory_space<vmem_shared>> -> memref<128x16xf32, #tpu.memory_space<vmem_shared>>
        tpu.wait_dma2 semaphore(%run_scoped3A : memref<!tpu.dma_semaphore, #tpu.memory_space<semaphore_mem>>) src(%arg6 : memref<128x16xf32, #tpu.memory_space<vmem>>) dst(%dma_wait3A_68 : memref<128x16xf32, #tpu.memory_space<vmem_shared>>)
        tpu.yield
      }) : () -> ()
      %scan3A_62 = arith.constant 0 : i32
      scf.yield %scan3A_62 : i32
    }
    %scan3A_32 = arith.constant 5 : i32
    %barrier3A = arith.constant 0 : index
    tpu.barrier barrier_id(%barrier3A)
    %scan3A_33 = arith.constant 0 : i32
    %scan3A_34 = arith.constant 0 : i32
    %scan3A_35 = arith.constant 10 : i32
    %scan3A_36 = arith.addi %scan3A_34, %scan3A_35 : i32
    %scan3A_37 = arith.constant 1 : i32
    %scan3A_38 = scf.for %scan3A_55 = %scan3A_34 to %scan3A_36 step %scan3A_37 iter_args(%scan3A_56 = %scan3A_33) -> (i32)  : i32 {
      %mul3A_57 = arith.constant 8 : i32
      %mul3A_58 = arith.muli %scan3A_55, %mul3A_57 : i32
      %add3A_59 = arith.constant 0 : i32
      %add3A_60 = arith.addi %mul3A_58, %add3A_59 : i32
      %lt3A_61 = arith.cmpi slt, %add3A_60, %add3A_7 : i32
      %convert_element_type3A_62 = arith.extui %lt3A_61 : i1 to i32
      %cond3A_63 = arith.constant 0 : i32
      %cond3A_64 = arith.cmpi ne, %convert_element_type3A_62, %cond3A_63 : i32
      scf.if %cond3A_64 {
        %dma_start3A = arith.constant 0 : i32
        %dma_start3A_186 = tpu.memref_slice %arg4[%add3A_60, %dma_start3A] : memref<79x128xi32, #tpu.memory_space<vmem>> -> memref<1x128xi32, #tpu.memory_space<vmem>>
        %dma_start3A_187 = tpu.memref_squeeze %dma_start3A_186 : memref<1x128xi32, #tpu.memory_space<vmem>> -> memref<128xi32, #tpu.memory_space<vmem>>
        %dma_start3A_188 = arith.constant 0 : i32
        %dma_start3A_189 = arith.constant 0 : i32
        %dma_start3A_190 = tpu.memref_slice %arg9[%dma_start3A_188, %dma_start3A_189] : memref<10240x16xf32, #tpu.memory_space<vmem_shared>> -> memref<10240x16xf32, #tpu.memory_space<vmem_shared>>
        tpu.enqueue_indirect_dma source(%arg5 : memref<128x16xf32, #tpu.memory_space<vmem>>) target(%dma_start3A_190 : memref<10240x16xf32, #tpu.memory_space<vmem_shared>>) offsets(%dma_start3A_187 : memref<128xi32, #tpu.memory_space<vmem>>) semaphore(%arg10 : memref<!tpu.dma_semaphore, #tpu.memory_space<semaphore_mem>>) {add = true}
      } else {
      }
      %mul3A_65 = arith.constant 8 : i32
      %mul3A_66 = arith.muli %scan3A_55, %mul3A_65 : i32
      %add3A_67 = arith.constant 1 : i32
      %add3A_68 = arith.addi %mul3A_66, %add3A_67 : i32
      %lt3A_69 = arith.cmpi slt, %add3A_68, %add3A_7 : i32
      %convert_element_type3A_70 = arith.extui %lt3A_69 : i1 to i32
      %cond3A_71 = arith.constant 0 : i32
      %cond3A_72 = arith.cmpi ne, %convert_element_type3A_70, %cond3A_71 : i32
      scf.if %cond3A_72 {
        %dma_start3A = arith.constant 0 : i32
        %dma_start3A_186 = tpu.memref_slice %arg4[%add3A_68, %dma_start3A] : memref<79x128xi32, #tpu.memory_space<vmem>> -> memref<1x128xi32, #tpu.memory_space<vmem>>
        %dma_start3A_187 = tpu.memref_squeeze %dma_start3A_186 : memref<1x128xi32, #tpu.memory_space<vmem>> -> memref<128xi32, #tpu.memory_space<vmem>>
        %dma_start3A_188 = arith.constant 0 : i32
        %dma_start3A_189 = arith.constant 0 : i32
        %dma_start3A_190 = tpu.memref_slice %arg9[%dma_start3A_188, %dma_start3A_189] : memref<10240x16xf32, #tpu.memory_space<vmem_shared>> -> memref<10240x16xf32, #tpu.memory_space<vmem_shared>>
        tpu.enqueue_indirect_dma source(%arg5 : memref<128x16xf32, #tpu.memory_space<vmem>>) target(%dma_start3A_190 : memref<10240x16xf32, #tpu.memory_space<vmem_shared>>) offsets(%dma_start3A_187 : memref<128xi32, #tpu.memory_space<vmem>>) semaphore(%arg10 : memref<!tpu.dma_semaphore, #tpu.memory_space<semaphore_mem>>) {add = true}
      } else {
      }
      %mul3A_73 = arith.constant 8 : i32
      %mul3A_74 = arith.muli %scan3A_55, %mul3A_73 : i32
      %add3A_75 = arith.constant 2 : i32
      %add3A_76 = arith.addi %mul3A_74, %add3A_75 : i32
      %lt3A_77 = arith.cmpi slt, %add3A_76, %add3A_7 : i32
      %convert_element_type3A_78 = arith.extui %lt3A_77 : i1 to i32
      %cond3A_79 = arith.constant 0 : i32
      %cond3A_80 = arith.cmpi ne, %convert_element_type3A_78, %cond3A_79 : i32
      scf.if %cond3A_80 {
        %dma_start3A = arith.constant 0 : i32
        %dma_start3A_186 = tpu.memref_slice %arg4[%add3A_76, %dma_start3A] : memref<79x128xi32, #tpu.memory_space<vmem>> -> memref<1x128xi32, #tpu.memory_space<vmem>>
        %dma_start3A_187 = tpu.memref_squeeze %dma_start3A_186 : memref<1x128xi32, #tpu.memory_space<vmem>> -> memref<128xi32, #tpu.memory_space<vmem>>
        %dma_start3A_188 = arith.constant 0 : i32
        %dma_start3A_189 = arith.constant 0 : i32
        %dma_start3A_190 = tpu.memref_slice %arg9[%dma_start3A_188, %dma_start3A_189] : memref<10240x16xf32, #tpu.memory_space<vmem_shared>> -> memref<10240x16xf32, #tpu.memory_space<vmem_shared>>
        tpu.enqueue_indirect_dma source(%arg5 : memref<128x16xf32, #tpu.memory_space<vmem>>) target(%dma_start3A_190 : memref<10240x16xf32, #tpu.memory_space<vmem_shared>>) offsets(%dma_start3A_187 : memref<128xi32, #tpu.memory_space<vmem>>) semaphore(%arg10 : memref<!tpu.dma_semaphore, #tpu.memory_space<semaphore_mem>>) {add = true}
      } else {
      }
      %mul3A_81 = arith.constant 8 : i32
      %mul3A_82 = arith.muli %scan3A_55, %mul3A_81 : i32
      %add3A_83 = arith.constant 3 : i32
      %add3A_84 = arith.addi %mul3A_82, %add3A_83 : i32
      %lt3A_85 = arith.cmpi slt, %add3A_84, %add3A_7 : i32
      %convert_element_type3A_86 = arith.extui %lt3A_85 : i1 to i32
      %cond3A_87 = arith.constant 0 : i32
      %cond3A_88 = arith.cmpi ne, %convert_element_type3A_86, %cond3A_87 : i32
      scf.if %cond3A_88 {
        %dma_start3A = arith.constant 0 : i32
        %dma_start3A_186 = tpu.memref_slice %arg4[%add3A_84, %dma_start3A] : memref<79x128xi32, #tpu.memory_space<vmem>> -> memref<1x128xi32, #tpu.memory_space<vmem>>
        %dma_start3A_187 = tpu.memref_squeeze %dma_start3A_186 : memref<1x128xi32, #tpu.memory_space<vmem>> -> memref<128xi32, #tpu.memory_space<vmem>>
        %dma_start3A_188 = arith.constant 0 : i32
        %dma_start3A_189 = arith.constant 0 : i32
        %dma_start3A_190 = tpu.memref_slice %arg9[%dma_start3A_188, %dma_start3A_189] : memref<10240x16xf32, #tpu.memory_space<vmem_shared>> -> memref<10240x16xf32, #tpu.memory_space<vmem_shared>>
        tpu.enqueue_indirect_dma source(%arg5 : memref<128x16xf32, #tpu.memory_space<vmem>>) target(%dma_start3A_190 : memref<10240x16xf32, #tpu.memory_space<vmem_shared>>) offsets(%dma_start3A_187 : memref<128xi32, #tpu.memory_space<vmem>>) semaphore(%arg10 : memref<!tpu.dma_semaphore, #tpu.memory_space<semaphore_mem>>) {add = true}
      } else {
      }
      %mul3A_89 = arith.constant 8 : i32
      %mul3A_90 = arith.muli %scan3A_55, %mul3A_89 : i32
      %add3A_91 = arith.constant 4 : i32
      %add3A_92 = arith.addi %mul3A_90, %add3A_91 : i32
      %lt3A_93 = arith.cmpi slt, %add3A_92, %add3A_7 : i32
      %convert_element_type3A_94 = arith.extui %lt3A_93 : i1 to i32
      %cond3A_95 = arith.constant 0 : i32
      %cond3A_96 = arith.cmpi ne, %convert_element_type3A_94, %cond3A_95 : i32
      scf.if %cond3A_96 {
        %dma_start3A = arith.constant 0 : i32
        %dma_start3A_186 = tpu.memref_slice %arg4[%add3A_92, %dma_start3A] : memref<79x128xi32, #tpu.memory_space<vmem>> -> memref<1x128xi32, #tpu.memory_space<vmem>>
        %dma_start3A_187 = tpu.memref_squeeze %dma_start3A_186 : memref<1x128xi32, #tpu.memory_space<vmem>> -> memref<128xi32, #tpu.memory_space<vmem>>
        %dma_start3A_188 = arith.constant 0 : i32
        %dma_start3A_189 = arith.constant 0 : i32
        %dma_start3A_190 = tpu.memref_slice %arg9[%dma_start3A_188, %dma_start3A_189] : memref<10240x16xf32, #tpu.memory_space<vmem_shared>> -> memref<10240x16xf32, #tpu.memory_space<vmem_shared>>
        tpu.enqueue_indirect_dma source(%arg5 : memref<128x16xf32, #tpu.memory_space<vmem>>) target(%dma_start3A_190 : memref<10240x16xf32, #tpu.memory_space<vmem_shared>>) offsets(%dma_start3A_187 : memref<128xi32, #tpu.memory_space<vmem>>) semaphore(%arg10 : memref<!tpu.dma_semaphore, #tpu.memory_space<semaphore_mem>>) {add = true}
      } else {
      }
      %mul3A_97 = arith.constant 8 : i32
      %mul3A_98 = arith.muli %scan3A_55, %mul3A_97 : i32
      %add3A_99 = arith.constant 5 : i32
      %add3A_100 = arith.addi %mul3A_98, %add3A_99 : i32
      %lt3A_101 = arith.cmpi slt, %add3A_100, %add3A_7 : i32
      %convert_element_type3A_102 = arith.extui %lt3A_101 : i1 to i32
      %cond3A_103 = arith.constant 0 : i32
      %cond3A_104 = arith.cmpi ne, %convert_element_type3A_102, %cond3A_103 : i32
      scf.if %cond3A_104 {
        %dma_start3A = arith.constant 0 : i32
        %dma_start3A_186 = tpu.memref_slice %arg4[%add3A_100, %dma_start3A] : memref<79x128xi32, #tpu.memory_space<vmem>> -> memref<1x128xi32, #tpu.memory_space<vmem>>
        %dma_start3A_187 = tpu.memref_squeeze %dma_start3A_186 : memref<1x128xi32, #tpu.memory_space<vmem>> -> memref<128xi32, #tpu.memory_space<vmem>>
        %dma_start3A_188 = arith.constant 0 : i32
        %dma_start3A_189 = arith.constant 0 : i32
        %dma_start3A_190 = tpu.memref_slice %arg9[%dma_start3A_188, %dma_start3A_189] : memref<10240x16xf32, #tpu.memory_space<vmem_shared>> -> memref<10240x16xf32, #tpu.memory_space<vmem_shared>>
        tpu.enqueue_indirect_dma source(%arg5 : memref<128x16xf32, #tpu.memory_space<vmem>>) target(%dma_start3A_190 : memref<10240x16xf32, #tpu.memory_space<vmem_shared>>) offsets(%dma_start3A_187 : memref<128xi32, #tpu.memory_space<vmem>>) semaphore(%arg10 : memref<!tpu.dma_semaphore, #tpu.memory_space<semaphore_mem>>) {add = true}
      } else {
      }
      %mul3A_105 = arith.constant 8 : i32
      %mul3A_106 = arith.muli %scan3A_55, %mul3A_105 : i32
      %add3A_107 = arith.constant 6 : i32
      %add3A_108 = arith.addi %mul3A_106, %add3A_107 : i32
      %lt3A_109 = arith.cmpi slt, %add3A_108, %add3A_7 : i32
      %convert_element_type3A_110 = arith.extui %lt3A_109 : i1 to i32
      %cond3A_111 = arith.constant 0 : i32
      %cond3A_112 = arith.cmpi ne, %convert_element_type3A_110, %cond3A_111 : i32
      scf.if %cond3A_112 {
        %dma_start3A = arith.constant 0 : i32
        %dma_start3A_186 = tpu.memref_slice %arg4[%add3A_108, %dma_start3A] : memref<79x128xi32, #tpu.memory_space<vmem>> -> memref<1x128xi32, #tpu.memory_space<vmem>>
        %dma_start3A_187 = tpu.memref_squeeze %dma_start3A_186 : memref<1x128xi32, #tpu.memory_space<vmem>> -> memref<128xi32, #tpu.memory_space<vmem>>
        %dma_start3A_188 = arith.constant 0 : i32
        %dma_start3A_189 = arith.constant 0 : i32
        %dma_start3A_190 = tpu.memref_slice %arg9[%dma_start3A_188, %dma_start3A_189] : memref<10240x16xf32, #tpu.memory_space<vmem_shared>> -> memref<10240x16xf32, #tpu.memory_space<vmem_shared>>
        tpu.enqueue_indirect_dma source(%arg5 : memref<128x16xf32, #tpu.memory_space<vmem>>) target(%dma_start3A_190 : memref<10240x16xf32, #tpu.memory_space<vmem_shared>>) offsets(%dma_start3A_187 : memref<128xi32, #tpu.memory_space<vmem>>) semaphore(%arg10 : memref<!tpu.dma_semaphore, #tpu.memory_space<semaphore_mem>>) {add = true}
      } else {
      }
      %mul3A_113 = arith.constant 8 : i32
      %mul3A_114 = arith.muli %scan3A_55, %mul3A_113 : i32
      %add3A_115 = arith.constant 7 : i32
      %add3A_116 = arith.addi %mul3A_114, %add3A_115 : i32
      %lt3A_117 = arith.cmpi slt, %add3A_116, %add3A_7 : i32
      %convert_element_type3A_118 = arith.extui %lt3A_117 : i1 to i32
      %cond3A_119 = arith.constant 0 : i32
      %cond3A_120 = arith.cmpi ne, %convert_element_type3A_118, %cond3A_119 : i32
      scf.if %cond3A_120 {
        %dma_start3A = arith.constant 0 : i32
        %dma_start3A_186 = tpu.memref_slice %arg4[%add3A_116, %dma_start3A] : memref<79x128xi32, #tpu.memory_space<vmem>> -> memref<1x128xi32, #tpu.memory_space<vmem>>
        %dma_start3A_187 = tpu.memref_squeeze %dma_start3A_186 : memref<1x128xi32, #tpu.memory_space<vmem>> -> memref<128xi32, #tpu.memory_space<vmem>>
        %dma_start3A_188 = arith.constant 0 : i32
        %dma_start3A_189 = arith.constant 0 : i32
        %dma_start3A_190 = tpu.memref_slice %arg9[%dma_start3A_188, %dma_start3A_189] : memref<10240x16xf32, #tpu.memory_space<vmem_shared>> -> memref<10240x16xf32, #tpu.memory_space<vmem_shared>>
        tpu.enqueue_indirect_dma source(%arg5 : memref<128x16xf32, #tpu.memory_space<vmem>>) target(%dma_start3A_190 : memref<10240x16xf32, #tpu.memory_space<vmem_shared>>) offsets(%dma_start3A_187 : memref<128xi32, #tpu.memory_space<vmem>>) semaphore(%arg10 : memref<!tpu.dma_semaphore, #tpu.memory_space<semaphore_mem>>) {add = true}
      } else {
      }
      %mul3A_121 = arith.constant 8 : i32
      %mul3A_122 = arith.muli %scan3A_55, %mul3A_121 : i32
      %add3A_123 = arith.constant 0 : i32
      %add3A_124 = arith.addi %mul3A_122, %add3A_123 : i32
      %lt3A_125 = arith.cmpi slt, %add3A_124, %add3A_7 : i32
      %convert_element_type3A_126 = arith.extui %lt3A_125 : i1 to i32
      %cond3A_127 = arith.constant 0 : i32
      %cond3A_128 = arith.cmpi ne, %convert_element_type3A_126, %cond3A_127 : i32
      scf.if %cond3A_128 {
        %dma_wait3A = arith.constant 0 : i32
        %dma_wait3A_186 = arith.constant 0 : i32
        %dma_wait3A_187 = tpu.memref_slice %arg9[%dma_wait3A, %dma_wait3A_186] : memref<10240x16xf32, #tpu.memory_space<vmem_shared>> -> memref<128x16xf32, #tpu.memory_space<vmem_shared>>
        %dma_wait3A_188 = arith.constant 0 : i32
        %dma_wait3A_189 = arith.constant 0 : i32
        %dma_wait3A_190 = tpu.memref_slice %arg9[%dma_wait3A_188, %dma_wait3A_189] : memref<10240x16xf32, #tpu.memory_space<vmem_shared>> -> memref<128x16xf32, #tpu.memory_space<vmem_shared>>
        tpu.wait_dma2 semaphore(%arg10 : memref<!tpu.dma_semaphore, #tpu.memory_space<semaphore_mem>>) src(%arg5 : memref<128x16xf32, #tpu.memory_space<vmem>>) dst(%dma_wait3A_190 : memref<128x16xf32, #tpu.memory_space<vmem_shared>>)
      } else {
      }
      %mul3A_129 = arith.constant 8 : i32
      %mul3A_130 = arith.muli %scan3A_55, %mul3A_129 : i32
      %add3A_131 = arith.constant 1 : i32
      %add3A_132 = arith.addi %mul3A_130, %add3A_131 : i32
      %lt3A_133 = arith.cmpi slt, %add3A_132, %add3A_7 : i32
      %convert_element_type3A_134 = arith.extui %lt3A_133 : i1 to i32
      %cond3A_135 = arith.constant 0 : i32
      %cond3A_136 = arith.cmpi ne, %convert_element_type3A_134, %cond3A_135 : i32
      scf.if %cond3A_136 {
        %dma_wait3A = arith.constant 0 : i32
        %dma_wait3A_186 = arith.constant 0 : i32
        %dma_wait3A_187 = tpu.memref_slice %arg9[%dma_wait3A, %dma_wait3A_186] : memref<10240x16xf32, #tpu.memory_space<vmem_shared>> -> memref<128x16xf32, #tpu.memory_space<vmem_shared>>
        %dma_wait3A_188 = arith.constant 0 : i32
        %dma_wait3A_189 = arith.constant 0 : i32
        %dma_wait3A_190 = tpu.memref_slice %arg9[%dma_wait3A_188, %dma_wait3A_189] : memref<10240x16xf32, #tpu.memory_space<vmem_shared>> -> memref<128x16xf32, #tpu.memory_space<vmem_shared>>
        tpu.wait_dma2 semaphore(%arg10 : memref<!tpu.dma_semaphore, #tpu.memory_space<semaphore_mem>>) src(%arg5 : memref<128x16xf32, #tpu.memory_space<vmem>>) dst(%dma_wait3A_190 : memref<128x16xf32, #tpu.memory_space<vmem_shared>>)
      } else {
      }
      %mul3A_137 = arith.constant 8 : i32
      %mul3A_138 = arith.muli %scan3A_55, %mul3A_137 : i32
      %add3A_139 = arith.constant 2 : i32
      %add3A_140 = arith.addi %mul3A_138, %add3A_139 : i32
      %lt3A_141 = arith.cmpi slt, %add3A_140, %add3A_7 : i32
      %convert_element_type3A_142 = arith.extui %lt3A_141 : i1 to i32
      %cond3A_143 = arith.constant 0 : i32
      %cond3A_144 = arith.cmpi ne, %convert_element_type3A_142, %cond3A_143 : i32
      scf.if %cond3A_144 {
        %dma_wait3A = arith.constant 0 : i32
        %dma_wait3A_186 = arith.constant 0 : i32
        %dma_wait3A_187 = tpu.memref_slice %arg9[%dma_wait3A, %dma_wait3A_186] : memref<10240x16xf32, #tpu.memory_space<vmem_shared>> -> memref<128x16xf32, #tpu.memory_space<vmem_shared>>
        %dma_wait3A_188 = arith.constant 0 : i32
        %dma_wait3A_189 = arith.constant 0 : i32
        %dma_wait3A_190 = tpu.memref_slice %arg9[%dma_wait3A_188, %dma_wait3A_189] : memref<10240x16xf32, #tpu.memory_space<vmem_shared>> -> memref<128x16xf32, #tpu.memory_space<vmem_shared>>
        tpu.wait_dma2 semaphore(%arg10 : memref<!tpu.dma_semaphore, #tpu.memory_space<semaphore_mem>>) src(%arg5 : memref<128x16xf32, #tpu.memory_space<vmem>>) dst(%dma_wait3A_190 : memref<128x16xf32, #tpu.memory_space<vmem_shared>>)
      } else {
      }
      %mul3A_145 = arith.constant 8 : i32
      %mul3A_146 = arith.muli %scan3A_55, %mul3A_145 : i32
      %add3A_147 = arith.constant 3 : i32
      %add3A_148 = arith.addi %mul3A_146, %add3A_147 : i32
      %lt3A_149 = arith.cmpi slt, %add3A_148, %add3A_7 : i32
      %convert_element_type3A_150 = arith.extui %lt3A_149 : i1 to i32
      %cond3A_151 = arith.constant 0 : i32
      %cond3A_152 = arith.cmpi ne, %convert_element_type3A_150, %cond3A_151 : i32
      scf.if %cond3A_152 {
        %dma_wait3A = arith.constant 0 : i32
        %dma_wait3A_186 = arith.constant 0 : i32
        %dma_wait3A_187 = tpu.memref_slice %arg9[%dma_wait3A, %dma_wait3A_186] : memref<10240x16xf32, #tpu.memory_space<vmem_shared>> -> memref<128x16xf32, #tpu.memory_space<vmem_shared>>
        %dma_wait3A_188 = arith.constant 0 : i32
        %dma_wait3A_189 = arith.constant 0 : i32
        %dma_wait3A_190 = tpu.memref_slice %arg9[%dma_wait3A_188, %dma_wait3A_189] : memref<10240x16xf32, #tpu.memory_space<vmem_shared>> -> memref<128x16xf32, #tpu.memory_space<vmem_shared>>
        tpu.wait_dma2 semaphore(%arg10 : memref<!tpu.dma_semaphore, #tpu.memory_space<semaphore_mem>>) src(%arg5 : memref<128x16xf32, #tpu.memory_space<vmem>>) dst(%dma_wait3A_190 : memref<128x16xf32, #tpu.memory_space<vmem_shared>>)
      } else {
      }
      %mul3A_153 = arith.constant 8 : i32
      %mul3A_154 = arith.muli %scan3A_55, %mul3A_153 : i32
      %add3A_155 = arith.constant 4 : i32
      %add3A_156 = arith.addi %mul3A_154, %add3A_155 : i32
      %lt3A_157 = arith.cmpi slt, %add3A_156, %add3A_7 : i32
      %convert_element_type3A_158 = arith.extui %lt3A_157 : i1 to i32
      %cond3A_159 = arith.constant 0 : i32
      %cond3A_160 = arith.cmpi ne, %convert_element_type3A_158, %cond3A_159 : i32
      scf.if %cond3A_160 {
        %dma_wait3A = arith.constant 0 : i32
        %dma_wait3A_186 = arith.constant 0 : i32
        %dma_wait3A_187 = tpu.memref_slice %arg9[%dma_wait3A, %dma_wait3A_186] : memref<10240x16xf32, #tpu.memory_space<vmem_shared>> -> memref<128x16xf32, #tpu.memory_space<vmem_shared>>
        %dma_wait3A_188 = arith.constant 0 : i32
        %dma_wait3A_189 = arith.constant 0 : i32
        %dma_wait3A_190 = tpu.memref_slice %arg9[%dma_wait3A_188, %dma_wait3A_189] : memref<10240x16xf32, #tpu.memory_space<vmem_shared>> -> memref<128x16xf32, #tpu.memory_space<vmem_shared>>
        tpu.wait_dma2 semaphore(%arg10 : memref<!tpu.dma_semaphore, #tpu.memory_space<semaphore_mem>>) src(%arg5 : memref<128x16xf32, #tpu.memory_space<vmem>>) dst(%dma_wait3A_190 : memref<128x16xf32, #tpu.memory_space<vmem_shared>>)
      } else {
      }
      %mul3A_161 = arith.constant 8 : i32
      %mul3A_162 = arith.muli %scan3A_55, %mul3A_161 : i32
      %add3A_163 = arith.constant 5 : i32
      %add3A_164 = arith.addi %mul3A_162, %add3A_163 : i32
      %lt3A_165 = arith.cmpi slt, %add3A_164, %add3A_7 : i32
      %convert_element_type3A_166 = arith.extui %lt3A_165 : i1 to i32
      %cond3A_167 = arith.constant 0 : i32
      %cond3A_168 = arith.cmpi ne, %convert_element_type3A_166, %cond3A_167 : i32
      scf.if %cond3A_168 {
        %dma_wait3A = arith.constant 0 : i32
        %dma_wait3A_186 = arith.constant 0 : i32
        %dma_wait3A_187 = tpu.memref_slice %arg9[%dma_wait3A, %dma_wait3A_186] : memref<10240x16xf32, #tpu.memory_space<vmem_shared>> -> memref<128x16xf32, #tpu.memory_space<vmem_shared>>
        %dma_wait3A_188 = arith.constant 0 : i32
        %dma_wait3A_189 = arith.constant 0 : i32
        %dma_wait3A_190 = tpu.memref_slice %arg9[%dma_wait3A_188, %dma_wait3A_189] : memref<10240x16xf32, #tpu.memory_space<vmem_shared>> -> memref<128x16xf32, #tpu.memory_space<vmem_shared>>
        tpu.wait_dma2 semaphore(%arg10 : memref<!tpu.dma_semaphore, #tpu.memory_space<semaphore_mem>>) src(%arg5 : memref<128x16xf32, #tpu.memory_space<vmem>>) dst(%dma_wait3A_190 : memref<128x16xf32, #tpu.memory_space<vmem_shared>>)
      } else {
      }
      %mul3A_169 = arith.constant 8 : i32
      %mul3A_170 = arith.muli %scan3A_55, %mul3A_169 : i32
      %add3A_171 = arith.constant 6 : i32
      %add3A_172 = arith.addi %mul3A_170, %add3A_171 : i32
      %lt3A_173 = arith.cmpi slt, %add3A_172, %add3A_7 : i32
      %convert_element_type3A_174 = arith.extui %lt3A_173 : i1 to i32
      %cond3A_175 = arith.constant 0 : i32
      %cond3A_176 = arith.cmpi ne, %convert_element_type3A_174, %cond3A_175 : i32
      scf.if %cond3A_176 {
        %dma_wait3A = arith.constant 0 : i32
        %dma_wait3A_186 = arith.constant 0 : i32
        %dma_wait3A_187 = tpu.memref_slice %arg9[%dma_wait3A, %dma_wait3A_186] : memref<10240x16xf32, #tpu.memory_space<vmem_shared>> -> memref<128x16xf32, #tpu.memory_space<vmem_shared>>
        %dma_wait3A_188 = arith.constant 0 : i32
        %dma_wait3A_189 = arith.constant 0 : i32
        %dma_wait3A_190 = tpu.memref_slice %arg9[%dma_wait3A_188, %dma_wait3A_189] : memref<10240x16xf32, #tpu.memory_space<vmem_shared>> -> memref<128x16xf32, #tpu.memory_space<vmem_shared>>
        tpu.wait_dma2 semaphore(%arg10 : memref<!tpu.dma_semaphore, #tpu.memory_space<semaphore_mem>>) src(%arg5 : memref<128x16xf32, #tpu.memory_space<vmem>>) dst(%dma_wait3A_190 : memref<128x16xf32, #tpu.memory_space<vmem_shared>>)
      } else {
      }
      %mul3A_177 = arith.constant 8 : i32
      %mul3A_178 = arith.muli %scan3A_55, %mul3A_177 : i32
      %add3A_179 = arith.constant 7 : i32
      %add3A_180 = arith.addi %mul3A_178, %add3A_179 : i32
      %lt3A_181 = arith.cmpi slt, %add3A_180, %add3A_7 : i32
      %convert_element_type3A_182 = arith.extui %lt3A_181 : i1 to i32
      %cond3A_183 = arith.constant 0 : i32
      %cond3A_184 = arith.cmpi ne, %convert_element_type3A_182, %cond3A_183 : i32
      scf.if %cond3A_184 {
        %dma_wait3A = arith.constant 0 : i32
        %dma_wait3A_186 = arith.constant 0 : i32
        %dma_wait3A_187 = tpu.memref_slice %arg9[%dma_wait3A, %dma_wait3A_186] : memref<10240x16xf32, #tpu.memory_space<vmem_shared>> -> memref<128x16xf32, #tpu.memory_space<vmem_shared>>
        %dma_wait3A_188 = arith.constant 0 : i32
        %dma_wait3A_189 = arith.constant 0 : i32
        %dma_wait3A_190 = tpu.memref_slice %arg9[%dma_wait3A_188, %dma_wait3A_189] : memref<10240x16xf32, #tpu.memory_space<vmem_shared>> -> memref<128x16xf32, #tpu.memory_space<vmem_shared>>
        tpu.wait_dma2 semaphore(%arg10 : memref<!tpu.dma_semaphore, #tpu.memory_space<semaphore_mem>>) src(%arg5 : memref<128x16xf32, #tpu.memory_space<vmem>>) dst(%dma_wait3A_190 : memref<128x16xf32, #tpu.memory_space<vmem_shared>>)
      } else {
      }
      %scan3A_185 = arith.constant 0 : i32
      scf.yield %scan3A_185 : i32
    }
    %scan3A_39 = arith.constant 10 : i32
    %barrier3A_40 = arith.constant 0 : index
    tpu.barrier barrier_id(%barrier3A_40)
    %mul3A_41 = arith.constant 640 : i32
    %mul3A_42 = arith.muli %arg1, %mul3A_41 : i32
    "tpu.region"() ({
      %run_scoped3A = tpu.sem_alloc : memref<!tpu.dma_semaphore, #tpu.memory_space<semaphore_mem>>
      %dma_start3A = arith.constant 0 : i32
      %dma_start3A_55 = tpu.memref_slice %arg9[%mul3A_42, %dma_start3A] : memref<10240x16xf32, #tpu.memory_space<vmem_shared>> -> memref<640x16xf32, #tpu.memory_space<vmem_shared>>
      %dma_start3A_56 = arith.constant 0 : i32
      %dma_start3A_57 = tpu.memref_slice %arg9[%mul3A_42, %dma_start3A_56] : memref<10240x16xf32, #tpu.memory_space<vmem_shared>> -> memref<640x16xf32, #tpu.memory_space<vmem_shared>>
      tpu.enqueue_dma source(%dma_start3A_57 : memref<640x16xf32, #tpu.memory_space<vmem_shared>>) target(%arg7 : memref<640x16xf32, #tpu.memory_space<vmem>>) target_semaphore(%run_scoped3A : memref<!tpu.dma_semaphore, #tpu.memory_space<semaphore_mem>>)
      %dma_wait3A = arith.constant 0 : i32
      %dma_wait3A_58 = tpu.memref_slice %arg9[%mul3A_42, %dma_wait3A] : memref<10240x16xf32, #tpu.memory_space<vmem_shared>> -> memref<640x16xf32, #tpu.memory_space<vmem_shared>>
      %dma_wait3A_59 = arith.constant 0 : i32
      %dma_wait3A_60 = tpu.memref_slice %arg9[%mul3A_42, %dma_wait3A_59] : memref<10240x16xf32, #tpu.memory_space<vmem_shared>> -> memref<640x16xf32, #tpu.memory_space<vmem_shared>>
      tpu.wait_dma2 semaphore(%run_scoped3A : memref<!tpu.dma_semaphore, #tpu.memory_space<semaphore_mem>>) src(%dma_wait3A_60 : memref<640x16xf32, #tpu.memory_space<vmem_shared>>) dst(%arg7 : memref<640x16xf32, #tpu.memory_space<vmem>>)
      tpu.yield
    }) : () -> ()
    %iota3A = tpu.iota {dimensions = array<i32: 0>} : vector<16xi32>
    %scan3A_43 = arith.constant 0 : i32
    %scan3A_44 = arith.constant 0 : i32
    %scan3A_45 = arith.constant 40 : i32
    %scan3A_46 = arith.addi %scan3A_44, %scan3A_45 : i32
    %scan3A_47 = arith.constant 1 : i32
    %scan3A_48 = scf.for %scan3A_55 = %scan3A_44 to %scan3A_46 step %scan3A_47 iter_args(%scan3A_56 = %scan3A_43) -> (i32)  : i32 {
      %broadcast_in_dim3A = arith.constant 0.000000e+00 : f32
      %broadcast_in_dim3A_57 = vector.broadcast %broadcast_in_dim3A : f32 to vector<16xf32>
      %eq3A = arith.constant 0 : i32
      %eq3A_58 = vector.broadcast %eq3A : i32 to vector<16xi32>
      %eq3A_59 = arith.cmpi eq, %iota3A, %eq3A_58 : vector<16xi32>
      %mul3A_60 = arith.constant 16 : i32
      %mul3A_61 = arith.muli %scan3A_55, %mul3A_60 : i32
      %add3A_62 = arith.constant 0 : i32
      %add3A_63 = arith.addi %mul3A_61, %add3A_62 : i32
      %get3A = arith.index_cast %add3A_63 : i32 to index
      %get3A_64 = arith.constant 0 : index
      %get3A_65 = tpu.vector_load %arg7[%get3A, %get3A_64] {strides = array<i32>} : memref<640x16xf32, #tpu.memory_space<vmem>>, vector<1x16xf32>,
      %get3A_66 = vector.shape_cast %get3A_65 : vector<1x16xf32> to vector<16xf32>
      %select_n3A = arith.select %eq3A_59, %get3A_66, %broadcast_in_dim3A_57 : vector<16xi1>, vector<16xf32>
      %eq3A_67 = arith.constant 1 : i32
      %eq3A_68 = vector.broadcast %eq3A_67 : i32 to vector<16xi32>
      %eq3A_69 = arith.cmpi eq, %iota3A, %eq3A_68 : vector<16xi32>
      %mul3A_70 = arith.constant 16 : i32
      %mul3A_71 = arith.muli %scan3A_55, %mul3A_70 : i32
      %add3A_72 = arith.constant 1 : i32
      %add3A_73 = arith.addi %mul3A_71, %add3A_72 : i32
      %get3A_74 = arith.index_cast %add3A_73 : i32 to index
      %get3A_75 = arith.constant 0 : index
      %get3A_76 = tpu.vector_load %arg7[%get3A_74, %get3A_75] {strides = array<i32>} : memref<640x16xf32, #tpu.memory_space<vmem>>, vector<1x16xf32>,
      %get3A_77 = vector.shape_cast %get3A_76 : vector<1x16xf32> to vector<16xf32>
      %select_n3A_78 = arith.select %eq3A_69, %get3A_77, %select_n3A : vector<16xi1>, vector<16xf32>
      %eq3A_79 = arith.constant 2 : i32
      %eq3A_80 = vector.broadcast %eq3A_79 : i32 to vector<16xi32>
      %eq3A_81 = arith.cmpi eq, %iota3A, %eq3A_80 : vector<16xi32>
      %mul3A_82 = arith.constant 16 : i32
      %mul3A_83 = arith.muli %scan3A_55, %mul3A_82 : i32
      %add3A_84 = arith.constant 2 : i32
      %add3A_85 = arith.addi %mul3A_83, %add3A_84 : i32
      %get3A_86 = arith.index_cast %add3A_85 : i32 to index
      %get3A_87 = arith.constant 0 : index
      %get3A_88 = tpu.vector_load %arg7[%get3A_86, %get3A_87] {strides = array<i32>} : memref<640x16xf32, #tpu.memory_space<vmem>>, vector<1x16xf32>,
      %get3A_89 = vector.shape_cast %get3A_88 : vector<1x16xf32> to vector<16xf32>
      %select_n3A_90 = arith.select %eq3A_81, %get3A_89, %select_n3A_78 : vector<16xi1>, vector<16xf32>
      %eq3A_91 = arith.constant 3 : i32
      %eq3A_92 = vector.broadcast %eq3A_91 : i32 to vector<16xi32>
      %eq3A_93 = arith.cmpi eq, %iota3A, %eq3A_92 : vector<16xi32>
      %mul3A_94 = arith.constant 16 : i32
      %mul3A_95 = arith.muli %scan3A_55, %mul3A_94 : i32
      %add3A_96 = arith.constant 3 : i32
      %add3A_97 = arith.addi %mul3A_95, %add3A_96 : i32
      %get3A_98 = arith.index_cast %add3A_97 : i32 to index
      %get3A_99 = arith.constant 0 : index
      %get3A_100 = tpu.vector_load %arg7[%get3A_98, %get3A_99] {strides = array<i32>} : memref<640x16xf32, #tpu.memory_space<vmem>>, vector<1x16xf32>,
      %get3A_101 = vector.shape_cast %get3A_100 : vector<1x16xf32> to vector<16xf32>
      %select_n3A_102 = arith.select %eq3A_93, %get3A_101, %select_n3A_90 : vector<16xi1>, vector<16xf32>
      %eq3A_103 = arith.constant 4 : i32
      %eq3A_104 = vector.broadcast %eq3A_103 : i32 to vector<16xi32>
      %eq3A_105 = arith.cmpi eq, %iota3A, %eq3A_104 : vector<16xi32>
      %mul3A_106 = arith.constant 16 : i32
      %mul3A_107 = arith.muli %scan3A_55, %mul3A_106 : i32
      %add3A_108 = arith.constant 4 : i32
      %add3A_109 = arith.addi %mul3A_107, %add3A_108 : i32
      %get3A_110 = arith.index_cast %add3A_109 : i32 to index
      %get3A_111 = arith.constant 0 : index
      %get3A_112 = tpu.vector_load %arg7[%get3A_110, %get3A_111] {strides = array<i32>} : memref<640x16xf32, #tpu.memory_space<vmem>>, vector<1x16xf32>,
      %get3A_113 = vector.shape_cast %get3A_112 : vector<1x16xf32> to vector<16xf32>
      %select_n3A_114 = arith.select %eq3A_105, %get3A_113, %select_n3A_102 : vector<16xi1>, vector<16xf32>
      %eq3A_115 = arith.constant 5 : i32
      %eq3A_116 = vector.broadcast %eq3A_115 : i32 to vector<16xi32>
      %eq3A_117 = arith.cmpi eq, %iota3A, %eq3A_116 : vector<16xi32>
      %mul3A_118 = arith.constant 16 : i32
      %mul3A_119 = arith.muli %scan3A_55, %mul3A_118 : i32
      %add3A_120 = arith.constant 5 : i32
      %add3A_121 = arith.addi %mul3A_119, %add3A_120 : i32
      %get3A_122 = arith.index_cast %add3A_121 : i32 to index
      %get3A_123 = arith.constant 0 : index
      %get3A_124 = tpu.vector_load %arg7[%get3A_122, %get3A_123] {strides = array<i32>} : memref<640x16xf32, #tpu.memory_space<vmem>>, vector<1x16xf32>,
      %get3A_125 = vector.shape_cast %get3A_124 : vector<1x16xf32> to vector<16xf32>
      %select_n3A_126 = arith.select %eq3A_117, %get3A_125, %select_n3A_114 : vector<16xi1>, vector<16xf32>
      %eq3A_127 = arith.constant 6 : i32
      %eq3A_128 = vector.broadcast %eq3A_127 : i32 to vector<16xi32>
      %eq3A_129 = arith.cmpi eq, %iota3A, %eq3A_128 : vector<16xi32>
      %mul3A_130 = arith.constant 16 : i32
      %mul3A_131 = arith.muli %scan3A_55, %mul3A_130 : i32
      %add3A_132 = arith.constant 6 : i32
      %add3A_133 = arith.addi %mul3A_131, %add3A_132 : i32
      %get3A_134 = arith.index_cast %add3A_133 : i32 to index
      %get3A_135 = arith.constant 0 : index
      %get3A_136 = tpu.vector_load %arg7[%get3A_134, %get3A_135] {strides = array<i32>} : memref<640x16xf32, #tpu.memory_space<vmem>>, vector<1x16xf32>,
      %get3A_137 = vector.shape_cast %get3A_136 : vector<1x16xf32> to vector<16xf32>
      %select_n3A_138 = arith.select %eq3A_129, %get3A_137, %select_n3A_126 : vector<16xi1>, vector<16xf32>
      %eq3A_139 = arith.constant 7 : i32
      %eq3A_140 = vector.broadcast %eq3A_139 : i32 to vector<16xi32>
      %eq3A_141 = arith.cmpi eq, %iota3A, %eq3A_140 : vector<16xi32>
      %mul3A_142 = arith.constant 16 : i32
      %mul3A_143 = arith.muli %scan3A_55, %mul3A_142 : i32
      %add3A_144 = arith.constant 7 : i32
      %add3A_145 = arith.addi %mul3A_143, %add3A_144 : i32
      %get3A_146 = arith.index_cast %add3A_145 : i32 to index
      %get3A_147 = arith.constant 0 : index
      %get3A_148 = tpu.vector_load %arg7[%get3A_146, %get3A_147] {strides = array<i32>} : memref<640x16xf32, #tpu.memory_space<vmem>>, vector<1x16xf32>,
      %get3A_149 = vector.shape_cast %get3A_148 : vector<1x16xf32> to vector<16xf32>
      %select_n3A_150 = arith.select %eq3A_141, %get3A_149, %select_n3A_138 : vector<16xi1>, vector<16xf32>
      %eq3A_151 = arith.constant 8 : i32
      %eq3A_152 = vector.broadcast %eq3A_151 : i32 to vector<16xi32>
      %eq3A_153 = arith.cmpi eq, %iota3A, %eq3A_152 : vector<16xi32>
      %mul3A_154 = arith.constant 16 : i32
      %mul3A_155 = arith.muli %scan3A_55, %mul3A_154 : i32
      %add3A_156 = arith.constant 8 : i32
      %add3A_157 = arith.addi %mul3A_155, %add3A_156 : i32
      %get3A_158 = arith.index_cast %add3A_157 : i32 to index
      %get3A_159 = arith.constant 0 : index
      %get3A_160 = tpu.vector_load %arg7[%get3A_158, %get3A_159] {strides = array<i32>} : memref<640x16xf32, #tpu.memory_space<vmem>>, vector<1x16xf32>,
      %get3A_161 = vector.shape_cast %get3A_160 : vector<1x16xf32> to vector<16xf32>
      %select_n3A_162 = arith.select %eq3A_153, %get3A_161, %select_n3A_150 : vector<16xi1>, vector<16xf32>
      %eq3A_163 = arith.constant 9 : i32
      %eq3A_164 = vector.broadcast %eq3A_163 : i32 to vector<16xi32>
      %eq3A_165 = arith.cmpi eq, %iota3A, %eq3A_164 : vector<16xi32>
      %mul3A_166 = arith.constant 16 : i32
      %mul3A_167 = arith.muli %scan3A_55, %mul3A_166 : i32
      %add3A_168 = arith.constant 9 : i32
      %add3A_169 = arith.addi %mul3A_167, %add3A_168 : i32
      %get3A_170 = arith.index_cast %add3A_169 : i32 to index
      %get3A_171 = arith.constant 0 : index
      %get3A_172 = tpu.vector_load %arg7[%get3A_170, %get3A_171] {strides = array<i32>} : memref<640x16xf32, #tpu.memory_space<vmem>>, vector<1x16xf32>,
      %get3A_173 = vector.shape_cast %get3A_172 : vector<1x16xf32> to vector<16xf32>
      %select_n3A_174 = arith.select %eq3A_165, %get3A_173, %select_n3A_162 : vector<16xi1>, vector<16xf32>
      %eq3A_175 = arith.constant 10 : i32
      %eq3A_176 = vector.broadcast %eq3A_175 : i32 to vector<16xi32>
      %eq3A_177 = arith.cmpi eq, %iota3A, %eq3A_176 : vector<16xi32>
      %mul3A_178 = arith.constant 16 : i32
      %mul3A_179 = arith.muli %scan3A_55, %mul3A_178 : i32
      %add3A_180 = arith.constant 10 : i32
      %add3A_181 = arith.addi %mul3A_179, %add3A_180 : i32
      %get3A_182 = arith.index_cast %add3A_181 : i32 to index
      %get3A_183 = arith.constant 0 : index
      %get3A_184 = tpu.vector_load %arg7[%get3A_182, %get3A_183] {strides = array<i32>} : memref<640x16xf32, #tpu.memory_space<vmem>>, vector<1x16xf32>,
      %get3A_185 = vector.shape_cast %get3A_184 : vector<1x16xf32> to vector<16xf32>
      %select_n3A_186 = arith.select %eq3A_177, %get3A_185, %select_n3A_174 : vector<16xi1>, vector<16xf32>
      %eq3A_187 = arith.constant 11 : i32
      %eq3A_188 = vector.broadcast %eq3A_187 : i32 to vector<16xi32>
      %eq3A_189 = arith.cmpi eq, %iota3A, %eq3A_188 : vector<16xi32>
      %mul3A_190 = arith.constant 16 : i32
      %mul3A_191 = arith.muli %scan3A_55, %mul3A_190 : i32
      %add3A_192 = arith.constant 11 : i32
      %add3A_193 = arith.addi %mul3A_191, %add3A_192 : i32
      %get3A_194 = arith.index_cast %add3A_193 : i32 to index
      %get3A_195 = arith.constant 0 : index
      %get3A_196 = tpu.vector_load %arg7[%get3A_194, %get3A_195] {strides = array<i32>} : memref<640x16xf32, #tpu.memory_space<vmem>>, vector<1x16xf32>,
      %get3A_197 = vector.shape_cast %get3A_196 : vector<1x16xf32> to vector<16xf32>
      %select_n3A_198 = arith.select %eq3A_189, %get3A_197, %select_n3A_186 : vector<16xi1>, vector<16xf32>
      %eq3A_199 = arith.constant 12 : i32
      %eq3A_200 = vector.broadcast %eq3A_199 : i32 to vector<16xi32>
      %eq3A_201 = arith.cmpi eq, %iota3A, %eq3A_200 : vector<16xi32>
      %mul3A_202 = arith.constant 16 : i32
      %mul3A_203 = arith.muli %scan3A_55, %mul3A_202 : i32
      %add3A_204 = arith.constant 12 : i32
      %add3A_205 = arith.addi %mul3A_203, %add3A_204 : i32
      %get3A_206 = arith.index_cast %add3A_205 : i32 to index
      %get3A_207 = arith.constant 0 : index
      %get3A_208 = tpu.vector_load %arg7[%get3A_206, %get3A_207] {strides = array<i32>} : memref<640x16xf32, #tpu.memory_space<vmem>>, vector<1x16xf32>,
      %get3A_209 = vector.shape_cast %get3A_208 : vector<1x16xf32> to vector<16xf32>
      %select_n3A_210 = arith.select %eq3A_201, %get3A_209, %select_n3A_198 : vector<16xi1>, vector<16xf32>
      %eq3A_211 = arith.constant 13 : i32
      %eq3A_212 = vector.broadcast %eq3A_211 : i32 to vector<16xi32>
      %eq3A_213 = arith.cmpi eq, %iota3A, %eq3A_212 : vector<16xi32>
      %mul3A_214 = arith.constant 16 : i32
      %mul3A_215 = arith.muli %scan3A_55, %mul3A_214 : i32
      %add3A_216 = arith.constant 13 : i32
      %add3A_217 = arith.addi %mul3A_215, %add3A_216 : i32
      %get3A_218 = arith.index_cast %add3A_217 : i32 to index
      %get3A_219 = arith.constant 0 : index
      %get3A_220 = tpu.vector_load %arg7[%get3A_218, %get3A_219] {strides = array<i32>} : memref<640x16xf32, #tpu.memory_space<vmem>>, vector<1x16xf32>,
      %get3A_221 = vector.shape_cast %get3A_220 : vector<1x16xf32> to vector<16xf32>
      %select_n3A_222 = arith.select %eq3A_213, %get3A_221, %select_n3A_210 : vector<16xi1>, vector<16xf32>
      %eq3A_223 = arith.constant 14 : i32
      %eq3A_224 = vector.broadcast %eq3A_223 : i32 to vector<16xi32>
      %eq3A_225 = arith.cmpi eq, %iota3A, %eq3A_224 : vector<16xi32>
      %mul3A_226 = arith.constant 16 : i32
      %mul3A_227 = arith.muli %scan3A_55, %mul3A_226 : i32
      %add3A_228 = arith.constant 14 : i32
      %add3A_229 = arith.addi %mul3A_227, %add3A_228 : i32
      %get3A_230 = arith.index_cast %add3A_229 : i32 to index
      %get3A_231 = arith.constant 0 : index
      %get3A_232 = tpu.vector_load %arg7[%get3A_230, %get3A_231] {strides = array<i32>} : memref<640x16xf32, #tpu.memory_space<vmem>>, vector<1x16xf32>,
      %get3A_233 = vector.shape_cast %get3A_232 : vector<1x16xf32> to vector<16xf32>
      %select_n3A_234 = arith.select %eq3A_225, %get3A_233, %select_n3A_222 : vector<16xi1>, vector<16xf32>
      %eq3A_235 = arith.constant 15 : i32
      %eq3A_236 = vector.broadcast %eq3A_235 : i32 to vector<16xi32>
      %eq3A_237 = arith.cmpi eq, %iota3A, %eq3A_236 : vector<16xi32>
      %mul3A_238 = arith.constant 16 : i32
      %mul3A_239 = arith.muli %scan3A_55, %mul3A_238 : i32
      %add3A_240 = arith.constant 15 : i32
      %add3A_241 = arith.addi %mul3A_239, %add3A_240 : i32
      %get3A_242 = arith.index_cast %add3A_241 : i32 to index
      %get3A_243 = arith.constant 0 : index
      %get3A_244 = tpu.vector_load %arg7[%get3A_242, %get3A_243] {strides = array<i32>} : memref<640x16xf32, #tpu.memory_space<vmem>>, vector<1x16xf32>,
      %get3A_245 = vector.shape_cast %get3A_244 : vector<1x16xf32> to vector<16xf32>
      %select_n3A_246 = arith.select %eq3A_237, %get3A_245, %select_n3A_234 : vector<16xi1>, vector<16xf32>
      %mul3A_247 = arith.constant 16 : i32
      %mul3A_248 = arith.muli %scan3A_55, %mul3A_247 : i32
      %swap3A = arith.index_cast %mul3A_248 : i32 to index
      %swap3A_249 = tpu.vector_load %arg8[%swap3A] {strides = array<i32>} : memref<640xf32, #tpu.memory_space<vmem>>, vector<16xf32>,
      %swap3A_250 = vector.shape_cast %swap3A_249 : vector<16xf32> to vector<16xf32>
      %swap3A_251 = vector.shape_cast %select_n3A_246 : vector<16xf32> to vector<16xf32>
      tpu.vector_store %arg8[%swap3A], %swap3A_251 {strides = array<i32>} : memref<640xf32, #tpu.memory_space<vmem>>, vector<16xf32>,
      %scan3A_252 = arith.constant 0 : i32
      scf.yield %scan3A_252 : i32
    }
    %scan3A_49 = arith.constant 40 : i32
    %mul3A_50 = arith.constant 10240 : i32
    %mul3A_51 = arith.muli %arg0, %mul3A_50 : i32
    %mul3A_52 = arith.constant 640 : i32
    %mul3A_53 = arith.muli %arg1, %mul3A_52 : i32
    %add3A_54 = arith.addi %mul3A_51, %mul3A_53 : i32
    "tpu.region"() ({
      %run_scoped3A = tpu.sem_alloc : memref<!tpu.dma_semaphore, #tpu.memory_space<semaphore_mem>>
      %dma_start3A = tpu.memref_slice %arg3[%add3A_54] : memref<20480xf32, #tpu.memory_space<hbm>> -> memref<640xf32, #tpu.memory_space<hbm>>
      %dma_start3A_55 = tpu.memref_slice %arg3[%add3A_54] : memref<20480xf32, #tpu.memory_space<hbm>> -> memref<640xf32, #tpu.memory_space<hbm>>
      tpu.enqueue_dma source(%arg8 : memref<640xf32, #tpu.memory_space<vmem>>) target(%dma_start3A_55 : memref<640xf32, #tpu.memory_space<hbm>>) target_semaphore(%run_scoped3A : memref<!tpu.dma_semaphore, #tpu.memory_space<semaphore_mem>>)
      %dma_wait3A = tpu.memref_slice %arg3[%add3A_54] : memref<20480xf32, #tpu.memory_space<hbm>> -> memref<640xf32, #tpu.memory_space<hbm>>
      %dma_wait3A_56 = tpu.memref_slice %arg3[%add3A_54] : memref<20480xf32, #tpu.memory_space<hbm>> -> memref<640xf32, #tpu.memory_space<hbm>>
      tpu.wait_dma2 semaphore(%run_scoped3A : memref<!tpu.dma_semaphore, #tpu.memory_space<semaphore_mem>>) src(%arg8 : memref<640xf32, #tpu.memory_space<vmem>>) dst(%dma_wait3A_56 : memref<640xf32, #tpu.memory_space<hbm>>)
      tpu.yield
    }) : () -> ()
    return
  }
}

#map = affine_map<(d0, d1) -> (0, 0)>
#map1 = affine_map<(d0, d1) -> (0, 0, 0)>
module attributes {stable_mosaic.version = 14 : i64} {
  func.func @_scatter_body(%arg0: i32, %arg1: i32, %arg2: memref<10240x128xbf16, #tpu.memory_space<hbm>>, %arg3: memref<5000x128xi32, #tpu.memory_space<hbm>>, %arg4: memref<2x10240x128xbf16, #tpu.memory_space<hbm>>, %arg5: memref<79x128xi32, #tpu.memory_space<vmem>>, %arg6: memref<79x128xi32, #tpu.memory_space<vmem>>, %arg7: memref<128x128xbf16, #tpu.memory_space<vmem>>, %arg8: memref<128x128xbf16, #tpu.memory_space<vmem>>, %arg9: memref<128x128xbf16, #tpu.memory_space<vmem>>, %arg10: memref<128x128xbf16, #tpu.memory_space<vmem>>, %arg11: memref<10240x128xbf16, #tpu.memory_space<vmem_shared>>, %arg12: memref<!tpu.dma_semaphore, #tpu.memory_space<semaphore_mem>>, %arg13: memref<!tpu.dma_semaphore, #tpu.memory_space<semaphore_mem>>, %arg14: memref<!tpu.dma_semaphore, #tpu.memory_space<semaphore_mem>>, %arg15: memref<!tpu.dma_semaphore, #tpu.memory_space<semaphore_mem>>) attributes {dimension_semantics = [#tpu.dimension_semantics<core_parallel>, #tpu.dimension_semantics<subcore_parallel>], iteration_bounds = array<i64: 2, 16>, scalar_prefetch = 0 : i64, scratch_operands = 11 : i64, tpu.core_type = #tpu.core_type<sc_vector_subcore>, window_params = [{transform_indices = #map}, {transform_indices = #map}, {transform_indices = #map1}]} {
    %mul3A = arith.constant 16 : i32
    %mul3A_0 = arith.muli %arg0, %mul3A : i32
    %add3A = arith.addi %mul3A_0, %arg1 : i32
    %mul3A_1 = arith.constant 78 : i32
    %mul3A_2 = arith.muli %mul3A_1, %add3A : i32
    %min3A = arith.constant 4 : i32
    %min3A_3 = arith.minsi %add3A, %min3A : i32
    %add3A_4 = arith.addi %mul3A_2, %min3A_3 : i32
    %lt3A = arith.constant 4 : i32
    %lt3A_5 = arith.cmpi slt, %add3A, %lt3A : i32
    %convert_element_type3A = arith.extui %lt3A_5 : i1 to i32
    %add3A_6 = arith.constant 78 : i32
    %add3A_7 = arith.addi %add3A_6, %convert_element_type3A : i32
    %eq3A = arith.constant 0 : i32
    %eq3A_8 = arith.cmpi eq, %arg0, %eq3A : i32
    %convert_element_type3A_9 = arith.extui %eq3A_8 : i1 to i32
    %cond3A = arith.constant 0 : i32
    %cond3A_10 = arith.cmpi ne, %convert_element_type3A_9, %cond3A : i32
    scf.if %cond3A_10 {
      %scan3A_63 = arith.constant 0 : i32
      %scan3A_64 = arith.constant 0 : i32
      %scan3A_65 = arith.constant 5 : i32
      %scan3A_66 = arith.addi %scan3A_64, %scan3A_65 : i32
      %scan3A_67 = arith.constant 1 : i32
      %scan3A_68 = scf.for %scan3A_70 = %scan3A_64 to %scan3A_66 step %scan3A_67 iter_args(%scan3A_71 = %scan3A_63) -> (i32)  : i32 {
        %mul3A_72 = arith.constant 640 : i32
        %mul3A_73 = arith.muli %arg1, %mul3A_72 : i32
        %mul3A_74 = arith.constant 128 : i32
        %mul3A_75 = arith.muli %scan3A_70, %mul3A_74 : i32
        %add3A_76 = arith.addi %mul3A_73, %mul3A_75 : i32
        "tpu.region"() ({
          %run_scoped3A = tpu.sem_alloc : memref<!tpu.dma_semaphore, #tpu.memory_space<semaphore_mem>>
          %dma_start3A_78 = arith.constant 0 : i32
          %dma_start3A_79 = tpu.memref_slice %arg2[%add3A_76, %dma_start3A_78] : memref<10240x128xbf16, #tpu.memory_space<hbm>> -> memref<128x128xbf16, #tpu.memory_space<hbm>>
          %dma_start3A_80 = arith.constant 0 : i32
          %dma_start3A_81 = tpu.memref_slice %arg2[%add3A_76, %dma_start3A_80] : memref<10240x128xbf16, #tpu.memory_space<hbm>> -> memref<128x128xbf16, #tpu.memory_space<hbm>>
          tpu.enqueue_dma source(%dma_start3A_81 : memref<128x128xbf16, #tpu.memory_space<hbm>>) target(%arg7 : memref<128x128xbf16, #tpu.memory_space<vmem>>) target_semaphore(%run_scoped3A : memref<!tpu.dma_semaphore, #tpu.memory_space<semaphore_mem>>)
          %dma_wait3A = arith.constant 0 : i32
          %dma_wait3A_82 = tpu.memref_slice %arg2[%add3A_76, %dma_wait3A] : memref<10240x128xbf16, #tpu.memory_space<hbm>> -> memref<128x128xbf16, #tpu.memory_space<hbm>>
          %dma_wait3A_83 = arith.constant 0 : i32
          %dma_wait3A_84 = tpu.memref_slice %arg2[%add3A_76, %dma_wait3A_83] : memref<10240x128xbf16, #tpu.memory_space<hbm>> -> memref<128x128xbf16, #tpu.memory_space<hbm>>
          tpu.wait_dma2 semaphore(%run_scoped3A : memref<!tpu.dma_semaphore, #tpu.memory_space<semaphore_mem>>) src(%dma_wait3A_84 : memref<128x128xbf16, #tpu.memory_space<hbm>>) dst(%arg7 : memref<128x128xbf16, #tpu.memory_space<vmem>>)
          tpu.yield
        }) : () -> ()
        "tpu.region"() ({
          %run_scoped3A = tpu.sem_alloc : memref<!tpu.dma_semaphore, #tpu.memory_space<semaphore_mem>>
          %dma_start3A_78 = arith.constant 0 : i32
          %dma_start3A_79 = tpu.memref_slice %arg11[%add3A_76, %dma_start3A_78] : memref<10240x128xbf16, #tpu.memory_space<vmem_shared>> -> memref<128x128xbf16, #tpu.memory_space<vmem_shared>>
          %dma_start3A_80 = arith.constant 0 : i32
          %dma_start3A_81 = tpu.memref_slice %arg11[%add3A_76, %dma_start3A_80] : memref<10240x128xbf16, #tpu.memory_space<vmem_shared>> -> memref<128x128xbf16, #tpu.memory_space<vmem_shared>>
          tpu.enqueue_dma source(%arg7 : memref<128x128xbf16, #tpu.memory_space<vmem>>) target(%dma_start3A_81 : memref<128x128xbf16, #tpu.memory_space<vmem_shared>>) target_semaphore(%run_scoped3A : memref<!tpu.dma_semaphore, #tpu.memory_space<semaphore_mem>>)
          %dma_wait3A = arith.constant 0 : i32
          %dma_wait3A_82 = tpu.memref_slice %arg11[%add3A_76, %dma_wait3A] : memref<10240x128xbf16, #tpu.memory_space<vmem_shared>> -> memref<128x128xbf16, #tpu.memory_space<vmem_shared>>
          %dma_wait3A_83 = arith.constant 0 : i32
          %dma_wait3A_84 = tpu.memref_slice %arg11[%add3A_76, %dma_wait3A_83] : memref<10240x128xbf16, #tpu.memory_space<vmem_shared>> -> memref<128x128xbf16, #tpu.memory_space<vmem_shared>>
          tpu.wait_dma2 semaphore(%run_scoped3A : memref<!tpu.dma_semaphore, #tpu.memory_space<semaphore_mem>>) src(%arg7 : memref<128x128xbf16, #tpu.memory_space<vmem>>) dst(%dma_wait3A_84 : memref<128x128xbf16, #tpu.memory_space<vmem_shared>>)
          tpu.yield
        }) : () -> ()
        %scan3A_77 = arith.constant 0 : i32
        scf.yield %scan3A_77 : i32
      }
      %scan3A_69 = arith.constant 5 : i32
    } else {
    }
    %eq3A_11 = arith.constant 1 : i32
    %eq3A_12 = arith.cmpi eq, %arg0, %eq3A_11 : i32
    %convert_element_type3A_13 = arith.extui %eq3A_12 : i1 to i32
    %cond3A_14 = arith.constant 0 : i32
    %cond3A_15 = arith.cmpi ne, %convert_element_type3A_13, %cond3A_14 : i32
    scf.if %cond3A_15 {
      %scan3A_63 = arith.constant 0 : i32
      %scan3A_64 = arith.constant 0 : i32
      %scan3A_65 = arith.constant 128 : i32
      %scan3A_66 = arith.addi %scan3A_64, %scan3A_65 : i32
      %scan3A_67 = arith.constant 1 : i32
      %scan3A_68 = scf.for %scan3A_77 = %scan3A_64 to %scan3A_66 step %scan3A_67 iter_args(%scan3A_78 = %scan3A_63) -> (i32)  : i32 {
        %broadcast_in_dim3A = arith.constant 0.000000e+00 : bf16
        %broadcast_in_dim3A_79 = vector.broadcast %broadcast_in_dim3A : bf16 to vector<32xbf16>
        %swap3A = arith.index_cast %scan3A_77 : i32 to index
        %swap3A_80 = arith.constant 0 : index
        %swap3A_81 = tpu.vector_load %arg7[%swap3A, %swap3A_80] {strides = array<i32>} : memref<128x128xbf16, #tpu.memory_space<vmem>>, vector<1x32xbf16>,
        %swap3A_82 = vector.shape_cast %swap3A_81 : vector<1x32xbf16> to vector<32xbf16>
        %swap3A_83 = vector.shape_cast %broadcast_in_dim3A_79 : vector<32xbf16> to vector<1x32xbf16>
        tpu.vector_store %arg7[%swap3A, %swap3A_80], %swap3A_83 {strides = array<i32>} : memref<128x128xbf16, #tpu.memory_space<vmem>>, vector<1x32xbf16>,
        %broadcast_in_dim3A_84 = arith.constant 0.000000e+00 : bf16
        %broadcast_in_dim3A_85 = vector.broadcast %broadcast_in_dim3A_84 : bf16 to vector<32xbf16>
        %swap3A_86 = arith.index_cast %scan3A_77 : i32 to index
        %swap3A_87 = arith.constant 32 : index
        %swap3A_88 = tpu.vector_load %arg7[%swap3A_86, %swap3A_87] {strides = array<i32>} : memref<128x128xbf16, #tpu.memory_space<vmem>>, vector<1x32xbf16>,
        %swap3A_89 = vector.shape_cast %swap3A_88 : vector<1x32xbf16> to vector<32xbf16>
        %swap3A_90 = vector.shape_cast %broadcast_in_dim3A_85 : vector<32xbf16> to vector<1x32xbf16>
        tpu.vector_store %arg7[%swap3A_86, %swap3A_87], %swap3A_90 {strides = array<i32>} : memref<128x128xbf16, #tpu.memory_space<vmem>>, vector<1x32xbf16>,
        %broadcast_in_dim3A_91 = arith.constant 0.000000e+00 : bf16
        %broadcast_in_dim3A_92 = vector.broadcast %broadcast_in_dim3A_91 : bf16 to vector<32xbf16>
        %swap3A_93 = arith.index_cast %scan3A_77 : i32 to index
        %swap3A_94 = arith.constant 64 : index
        %swap3A_95 = tpu.vector_load %arg7[%swap3A_93, %swap3A_94] {strides = array<i32>} : memref<128x128xbf16, #tpu.memory_space<vmem>>, vector<1x32xbf16>,
        %swap3A_96 = vector.shape_cast %swap3A_95 : vector<1x32xbf16> to vector<32xbf16>
        %swap3A_97 = vector.shape_cast %broadcast_in_dim3A_92 : vector<32xbf16> to vector<1x32xbf16>
        tpu.vector_store %arg7[%swap3A_93, %swap3A_94], %swap3A_97 {strides = array<i32>} : memref<128x128xbf16, #tpu.memory_space<vmem>>, vector<1x32xbf16>,
        %broadcast_in_dim3A_98 = arith.constant 0.000000e+00 : bf16
        %broadcast_in_dim3A_99 = vector.broadcast %broadcast_in_dim3A_98 : bf16 to vector<32xbf16>
        %swap3A_100 = arith.index_cast %scan3A_77 : i32 to index
        %swap3A_101 = arith.constant 96 : index
        %swap3A_102 = tpu.vector_load %arg7[%swap3A_100, %swap3A_101] {strides = array<i32>} : memref<128x128xbf16, #tpu.memory_space<vmem>>, vector<1x32xbf16>,
        %swap3A_103 = vector.shape_cast %swap3A_102 : vector<1x32xbf16> to vector<32xbf16>
        %swap3A_104 = vector.shape_cast %broadcast_in_dim3A_99 : vector<32xbf16> to vector<1x32xbf16>
        tpu.vector_store %arg7[%swap3A_100, %swap3A_101], %swap3A_104 {strides = array<i32>} : memref<128x128xbf16, #tpu.memory_space<vmem>>, vector<1x32xbf16>,
        %scan3A_105 = arith.constant 0 : i32
        scf.yield %scan3A_105 : i32
      }
      %scan3A_69 = arith.constant 128 : i32
      %scan3A_70 = arith.constant 0 : i32
      %scan3A_71 = arith.constant 0 : i32
      %scan3A_72 = arith.constant 5 : i32
      %scan3A_73 = arith.addi %scan3A_71, %scan3A_72 : i32
      %scan3A_74 = arith.constant 1 : i32
      %scan3A_75 = scf.for %scan3A_77 = %scan3A_71 to %scan3A_73 step %scan3A_74 iter_args(%scan3A_78 = %scan3A_70) -> (i32)  : i32 {
        %mul3A_79 = arith.constant 640 : i32
        %mul3A_80 = arith.muli %arg1, %mul3A_79 : i32
        %mul3A_81 = arith.constant 128 : i32
        %mul3A_82 = arith.muli %scan3A_77, %mul3A_81 : i32
        %add3A_83 = arith.addi %mul3A_80, %mul3A_82 : i32
        "tpu.region"() ({
          %run_scoped3A = tpu.sem_alloc : memref<!tpu.dma_semaphore, #tpu.memory_space<semaphore_mem>>
          %dma_start3A_85 = arith.constant 0 : i32
          %dma_start3A_86 = tpu.memref_slice %arg11[%add3A_83, %dma_start3A_85] : memref<10240x128xbf16, #tpu.memory_space<vmem_shared>> -> memref<128x128xbf16, #tpu.memory_space<vmem_shared>>
          %dma_start3A_87 = arith.constant 0 : i32
          %dma_start3A_88 = tpu.memref_slice %arg11[%add3A_83, %dma_start3A_87] : memref<10240x128xbf16, #tpu.memory_space<vmem_shared>> -> memref<128x128xbf16, #tpu.memory_space<vmem_shared>>
          tpu.enqueue_dma source(%arg7 : memref<128x128xbf16, #tpu.memory_space<vmem>>) target(%dma_start3A_88 : memref<128x128xbf16, #tpu.memory_space<vmem_shared>>) target_semaphore(%run_scoped3A : memref<!tpu.dma_semaphore, #tpu.memory_space<semaphore_mem>>)
          %dma_wait3A = arith.constant 0 : i32
          %dma_wait3A_89 = tpu.memref_slice %arg11[%add3A_83, %dma_wait3A] : memref<10240x128xbf16, #tpu.memory_space<vmem_shared>> -> memref<128x128xbf16, #tpu.memory_space<vmem_shared>>
          %dma_wait3A_90 = arith.constant 0 : i32
          %dma_wait3A_91 = tpu.memref_slice %arg11[%add3A_83, %dma_wait3A_90] : memref<10240x128xbf16, #tpu.memory_space<vmem_shared>> -> memref<128x128xbf16, #tpu.memory_space<vmem_shared>>
          tpu.wait_dma2 semaphore(%run_scoped3A : memref<!tpu.dma_semaphore, #tpu.memory_space<semaphore_mem>>) src(%arg7 : memref<128x128xbf16, #tpu.memory_space<vmem>>) dst(%dma_wait3A_91 : memref<128x128xbf16, #tpu.memory_space<vmem_shared>>)
          tpu.yield
        }) : () -> ()
        %scan3A_84 = arith.constant 0 : i32
        scf.yield %scan3A_84 : i32
      }
      %scan3A_76 = arith.constant 5 : i32
    } else {
    }
    "tpu.region"() ({
      %run_scoped3A = tpu.sem_alloc : memref<!tpu.dma_semaphore, #tpu.memory_space<semaphore_mem>>
      %dma_start3A_63 = arith.constant 0 : i32
      %dma_start3A_64 = arith.constant 0 : i32
      %dma_start3A_65 = tpu.memref_slice %arg5[%dma_start3A_63, %dma_start3A_64] : memref<79x128xi32, #tpu.memory_space<vmem>> -> memref<78x128xi32, #tpu.memory_space<vmem>>
      %dma_start3A_66 = arith.constant 0 : i32
      %dma_start3A_67 = tpu.memref_slice %arg3[%add3A_4, %dma_start3A_66] : memref<5000x128xi32, #tpu.memory_space<hbm>> -> memref<78x128xi32, #tpu.memory_space<hbm>>
      %dma_start3A_68 = arith.constant 0 : i32
      %dma_start3A_69 = arith.constant 0 : i32
      %dma_start3A_70 = tpu.memref_slice %arg5[%dma_start3A_68, %dma_start3A_69] : memref<79x128xi32, #tpu.memory_space<vmem>> -> memref<78x128xi32, #tpu.memory_space<vmem>>
      %dma_start3A_71 = arith.constant 0 : i32
      %dma_start3A_72 = tpu.memref_slice %arg3[%add3A_4, %dma_start3A_71] : memref<5000x128xi32, #tpu.memory_space<hbm>> -> memref<78x128xi32, #tpu.memory_space<hbm>>
      tpu.enqueue_dma source(%dma_start3A_72 : memref<78x128xi32, #tpu.memory_space<hbm>>) target(%dma_start3A_70 : memref<78x128xi32, #tpu.memory_space<vmem>>) target_semaphore(%run_scoped3A : memref<!tpu.dma_semaphore, #tpu.memory_space<semaphore_mem>>)
      %dma_wait3A = arith.constant 0 : i32
      %dma_wait3A_73 = arith.constant 0 : i32
      %dma_wait3A_74 = tpu.memref_slice %arg5[%dma_wait3A, %dma_wait3A_73] : memref<79x128xi32, #tpu.memory_space<vmem>> -> memref<78x128xi32, #tpu.memory_space<vmem>>
      %dma_wait3A_75 = arith.constant 0 : i32
      %dma_wait3A_76 = tpu.memref_slice %arg3[%add3A_4, %dma_wait3A_75] : memref<5000x128xi32, #tpu.memory_space<hbm>> -> memref<78x128xi32, #tpu.memory_space<hbm>>
      %dma_wait3A_77 = arith.constant 0 : i32
      %dma_wait3A_78 = arith.constant 0 : i32
      %dma_wait3A_79 = tpu.memref_slice %arg5[%dma_wait3A_77, %dma_wait3A_78] : memref<79x128xi32, #tpu.memory_space<vmem>> -> memref<78x128xi32, #tpu.memory_space<vmem>>
      %dma_wait3A_80 = arith.constant 0 : i32
      %dma_wait3A_81 = tpu.memref_slice %arg3[%add3A_4, %dma_wait3A_80] : memref<5000x128xi32, #tpu.memory_space<hbm>> -> memref<78x128xi32, #tpu.memory_space<hbm>>
      tpu.wait_dma2 semaphore(%run_scoped3A : memref<!tpu.dma_semaphore, #tpu.memory_space<semaphore_mem>>) src(%dma_wait3A_81 : memref<78x128xi32, #tpu.memory_space<hbm>>) dst(%dma_wait3A_79 : memref<78x128xi32, #tpu.memory_space<vmem>>)
      tpu.yield
    }) : () -> ()
    %add3A_16 = arith.constant 2500 : i32
    %add3A_17 = arith.addi %add3A_16, %add3A_4 : i32
    "tpu.region"() ({
      %run_scoped3A = tpu.sem_alloc : memref<!tpu.dma_semaphore, #tpu.memory_space<semaphore_mem>>
      %dma_start3A_63 = arith.constant 0 : i32
      %dma_start3A_64 = arith.constant 0 : i32
      %dma_start3A_65 = tpu.memref_slice %arg6[%dma_start3A_63, %dma_start3A_64] : memref<79x128xi32, #tpu.memory_space<vmem>> -> memref<78x128xi32, #tpu.memory_space<vmem>>
      %dma_start3A_66 = arith.constant 0 : i32
      %dma_start3A_67 = tpu.memref_slice %arg3[%add3A_17, %dma_start3A_66] : memref<5000x128xi32, #tpu.memory_space<hbm>> -> memref<78x128xi32, #tpu.memory_space<hbm>>
      %dma_start3A_68 = arith.constant 0 : i32
      %dma_start3A_69 = arith.constant 0 : i32
      %dma_start3A_70 = tpu.memref_slice %arg6[%dma_start3A_68, %dma_start3A_69] : memref<79x128xi32, #tpu.memory_space<vmem>> -> memref<78x128xi32, #tpu.memory_space<vmem>>
      %dma_start3A_71 = arith.constant 0 : i32
      %dma_start3A_72 = tpu.memref_slice %arg3[%add3A_17, %dma_start3A_71] : memref<5000x128xi32, #tpu.memory_space<hbm>> -> memref<78x128xi32, #tpu.memory_space<hbm>>
      tpu.enqueue_dma source(%dma_start3A_72 : memref<78x128xi32, #tpu.memory_space<hbm>>) target(%dma_start3A_70 : memref<78x128xi32, #tpu.memory_space<vmem>>) target_semaphore(%run_scoped3A : memref<!tpu.dma_semaphore, #tpu.memory_space<semaphore_mem>>)
      %dma_wait3A = arith.constant 0 : i32
      %dma_wait3A_73 = arith.constant 0 : i32
      %dma_wait3A_74 = tpu.memref_slice %arg6[%dma_wait3A, %dma_wait3A_73] : memref<79x128xi32, #tpu.memory_space<vmem>> -> memref<78x128xi32, #tpu.memory_space<vmem>>
      %dma_wait3A_75 = arith.constant 0 : i32
      %dma_wait3A_76 = tpu.memref_slice %arg3[%add3A_17, %dma_wait3A_75] : memref<5000x128xi32, #tpu.memory_space<hbm>> -> memref<78x128xi32, #tpu.memory_space<hbm>>
      %dma_wait3A_77 = arith.constant 0 : i32
      %dma_wait3A_78 = arith.constant 0 : i32
      %dma_wait3A_79 = tpu.memref_slice %arg6[%dma_wait3A_77, %dma_wait3A_78] : memref<79x128xi32, #tpu.memory_space<vmem>> -> memref<78x128xi32, #tpu.memory_space<vmem>>
      %dma_wait3A_80 = arith.constant 0 : i32
      %dma_wait3A_81 = tpu.memref_slice %arg3[%add3A_17, %dma_wait3A_80] : memref<5000x128xi32, #tpu.memory_space<hbm>> -> memref<78x128xi32, #tpu.memory_space<hbm>>
      tpu.wait_dma2 semaphore(%run_scoped3A : memref<!tpu.dma_semaphore, #tpu.memory_space<semaphore_mem>>) src(%dma_wait3A_81 : memref<78x128xi32, #tpu.memory_space<hbm>>) dst(%dma_wait3A_79 : memref<78x128xi32, #tpu.memory_space<vmem>>)
      tpu.yield
    }) : () -> ()
    %gt3A = arith.constant 78 : i32
    %gt3A_18 = arith.cmpi sgt, %add3A_7, %gt3A : i32
    %convert_element_type3A_19 = arith.extui %gt3A_18 : i1 to i32
    %cond3A_20 = arith.constant 0 : i32
    %cond3A_21 = arith.cmpi ne, %convert_element_type3A_19, %cond3A_20 : i32
    scf.if %cond3A_21 {
      %add3A_63 = arith.constant 78 : i32
      %add3A_64 = arith.addi %add3A_4, %add3A_63 : i32
      "tpu.region"() ({
        %run_scoped3A = tpu.sem_alloc : memref<!tpu.dma_semaphore, #tpu.memory_space<semaphore_mem>>
        %dma_start3A_69 = arith.constant 78 : i32
        %dma_start3A_70 = arith.constant 0 : i32
        %dma_start3A_71 = tpu.memref_slice %arg5[%dma_start3A_69, %dma_start3A_70] : memref<79x128xi32, #tpu.memory_space<vmem>> -> memref<1x128xi32, #tpu.memory_space<vmem>>
        %dma_start3A_72 = arith.constant 0 : i32
        %dma_start3A_73 = tpu.memref_slice %arg3[%add3A_64, %dma_start3A_72] : memref<5000x128xi32, #tpu.memory_space<hbm>> -> memref<1x128xi32, #tpu.memory_space<hbm>>
        %dma_start3A_74 = arith.constant 78 : i32
        %dma_start3A_75 = arith.constant 0 : i32
        %dma_start3A_76 = tpu.memref_slice %arg5[%dma_start3A_74, %dma_start3A_75] : memref<79x128xi32, #tpu.memory_space<vmem>> -> memref<1x128xi32, #tpu.memory_space<vmem>>
        %dma_start3A_77 = arith.constant 0 : i32
        %dma_start3A_78 = tpu.memref_slice %arg3[%add3A_64, %dma_start3A_77] : memref<5000x128xi32, #tpu.memory_space<hbm>> -> memref<1x128xi32, #tpu.memory_space<hbm>>
        tpu.enqueue_dma source(%dma_start3A_78 : memref<1x128xi32, #tpu.memory_space<hbm>>) target(%dma_start3A_76 : memref<1x128xi32, #tpu.memory_space<vmem>>) target_semaphore(%run_scoped3A : memref<!tpu.dma_semaphore, #tpu.memory_space<semaphore_mem>>)
        %dma_wait3A = arith.constant 78 : i32
        %dma_wait3A_79 = arith.constant 0 : i32
        %dma_wait3A_80 = tpu.memref_slice %arg5[%dma_wait3A, %dma_wait3A_79] : memref<79x128xi32, #tpu.memory_space<vmem>> -> memref<1x128xi32, #tpu.memory_space<vmem>>
        %dma_wait3A_81 = arith.constant 0 : i32
        %dma_wait3A_82 = tpu.memref_slice %arg3[%add3A_64, %dma_wait3A_81] : memref<5000x128xi32, #tpu.memory_space<hbm>> -> memref<1x128xi32, #tpu.memory_space<hbm>>
        %dma_wait3A_83 = arith.constant 78 : i32
        %dma_wait3A_84 = arith.constant 0 : i32
        %dma_wait3A_85 = tpu.memref_slice %arg5[%dma_wait3A_83, %dma_wait3A_84] : memref<79x128xi32, #tpu.memory_space<vmem>> -> memref<1x128xi32, #tpu.memory_space<vmem>>
        %dma_wait3A_86 = arith.constant 0 : i32
        %dma_wait3A_87 = tpu.memref_slice %arg3[%add3A_64, %dma_wait3A_86] : memref<5000x128xi32, #tpu.memory_space<hbm>> -> memref<1x128xi32, #tpu.memory_space<hbm>>
        tpu.wait_dma2 semaphore(%run_scoped3A : memref<!tpu.dma_semaphore, #tpu.memory_space<semaphore_mem>>) src(%dma_wait3A_87 : memref<1x128xi32, #tpu.memory_space<hbm>>) dst(%dma_wait3A_85 : memref<1x128xi32, #tpu.memory_space<vmem>>)
        tpu.yield
      }) : () -> ()
      %add3A_65 = arith.constant 2500 : i32
      %add3A_66 = arith.addi %add3A_65, %add3A_4 : i32
      %add3A_67 = arith.constant 78 : i32
      %add3A_68 = arith.addi %add3A_66, %add3A_67 : i32
      "tpu.region"() ({
        %run_scoped3A = tpu.sem_alloc : memref<!tpu.dma_semaphore, #tpu.memory_space<semaphore_mem>>
        %dma_start3A_69 = arith.constant 78 : i32
        %dma_start3A_70 = arith.constant 0 : i32
        %dma_start3A_71 = tpu.memref_slice %arg6[%dma_start3A_69, %dma_start3A_70] : memref<79x128xi32, #tpu.memory_space<vmem>> -> memref<1x128xi32, #tpu.memory_space<vmem>>
        %dma_start3A_72 = arith.constant 0 : i32
        %dma_start3A_73 = tpu.memref_slice %arg3[%add3A_68, %dma_start3A_72] : memref<5000x128xi32, #tpu.memory_space<hbm>> -> memref<1x128xi32, #tpu.memory_space<hbm>>
        %dma_start3A_74 = arith.constant 78 : i32
        %dma_start3A_75 = arith.constant 0 : i32
        %dma_start3A_76 = tpu.memref_slice %arg6[%dma_start3A_74, %dma_start3A_75] : memref<79x128xi32, #tpu.memory_space<vmem>> -> memref<1x128xi32, #tpu.memory_space<vmem>>
        %dma_start3A_77 = arith.constant 0 : i32
        %dma_start3A_78 = tpu.memref_slice %arg3[%add3A_68, %dma_start3A_77] : memref<5000x128xi32, #tpu.memory_space<hbm>> -> memref<1x128xi32, #tpu.memory_space<hbm>>
        tpu.enqueue_dma source(%dma_start3A_78 : memref<1x128xi32, #tpu.memory_space<hbm>>) target(%dma_start3A_76 : memref<1x128xi32, #tpu.memory_space<vmem>>) target_semaphore(%run_scoped3A : memref<!tpu.dma_semaphore, #tpu.memory_space<semaphore_mem>>)
        %dma_wait3A = arith.constant 78 : i32
        %dma_wait3A_79 = arith.constant 0 : i32
        %dma_wait3A_80 = tpu.memref_slice %arg6[%dma_wait3A, %dma_wait3A_79] : memref<79x128xi32, #tpu.memory_space<vmem>> -> memref<1x128xi32, #tpu.memory_space<vmem>>
        %dma_wait3A_81 = arith.constant 0 : i32
        %dma_wait3A_82 = tpu.memref_slice %arg3[%add3A_68, %dma_wait3A_81] : memref<5000x128xi32, #tpu.memory_space<hbm>> -> memref<1x128xi32, #tpu.memory_space<hbm>>
        %dma_wait3A_83 = arith.constant 78 : i32
        %dma_wait3A_84 = arith.constant 0 : i32
        %dma_wait3A_85 = tpu.memref_slice %arg6[%dma_wait3A_83, %dma_wait3A_84] : memref<79x128xi32, #tpu.memory_space<vmem>> -> memref<1x128xi32, #tpu.memory_space<vmem>>
        %dma_wait3A_86 = arith.constant 0 : i32
        %dma_wait3A_87 = tpu.memref_slice %arg3[%add3A_68, %dma_wait3A_86] : memref<5000x128xi32, #tpu.memory_space<hbm>> -> memref<1x128xi32, #tpu.memory_space<hbm>>
        tpu.wait_dma2 semaphore(%run_scoped3A : memref<!tpu.dma_semaphore, #tpu.memory_space<semaphore_mem>>) src(%dma_wait3A_87 : memref<1x128xi32, #tpu.memory_space<hbm>>) dst(%dma_wait3A_85 : memref<1x128xi32, #tpu.memory_space<vmem>>)
        tpu.yield
      }) : () -> ()
    } else {
    }
    %barrier3A = arith.constant 0 : index
    tpu.barrier barrier_id(%barrier3A)
    %dma_start3A = arith.constant 0 : i32
    %dma_start3A_22 = arith.constant 0 : i32
    %dma_start3A_23 = tpu.memref_slice %arg5[%dma_start3A, %dma_start3A_22] : memref<79x128xi32, #tpu.memory_space<vmem>> -> memref<1x128xi32, #tpu.memory_space<vmem>>
    %dma_start3A_24 = tpu.memref_squeeze %dma_start3A_23 : memref<1x128xi32, #tpu.memory_space<vmem>> -> memref<128xi32, #tpu.memory_space<vmem>>
    %dma_start3A_25 = arith.constant 0 : i32
    %dma_start3A_26 = arith.constant 0 : i32
    %dma_start3A_27 = tpu.memref_slice %arg2[%dma_start3A_25, %dma_start3A_26] : memref<10240x128xbf16, #tpu.memory_space<hbm>> -> memref<10240x128xbf16, #tpu.memory_space<hbm>>
    tpu.enqueue_indirect_dma source(%dma_start3A_27 : memref<10240x128xbf16, #tpu.memory_space<hbm>>) target(%arg7 : memref<128x128xbf16, #tpu.memory_space<vmem>>) offsets(%dma_start3A_24 : memref<128xi32, #tpu.memory_space<vmem>>) semaphore(%arg12 : memref<!tpu.dma_semaphore, #tpu.memory_space<semaphore_mem>>)
    %dma_start3A_28 = arith.constant 1 : i32
    %dma_start3A_29 = arith.constant 0 : i32
    %dma_start3A_30 = tpu.memref_slice %arg5[%dma_start3A_28, %dma_start3A_29] : memref<79x128xi32, #tpu.memory_space<vmem>> -> memref<1x128xi32, #tpu.memory_space<vmem>>
    %dma_start3A_31 = tpu.memref_squeeze %dma_start3A_30 : memref<1x128xi32, #tpu.memory_space<vmem>> -> memref<128xi32, #tpu.memory_space<vmem>>
    %dma_start3A_32 = arith.constant 0 : i32
    %dma_start3A_33 = arith.constant 0 : i32
    %dma_start3A_34 = tpu.memref_slice %arg2[%dma_start3A_32, %dma_start3A_33] : memref<10240x128xbf16, #tpu.memory_space<hbm>> -> memref<10240x128xbf16, #tpu.memory_space<hbm>>
    tpu.enqueue_indirect_dma source(%dma_start3A_34 : memref<10240x128xbf16, #tpu.memory_space<hbm>>) target(%arg8 : memref<128x128xbf16, #tpu.memory_space<vmem>>) offsets(%dma_start3A_31 : memref<128xi32, #tpu.memory_space<vmem>>) semaphore(%arg13 : memref<!tpu.dma_semaphore, #tpu.memory_space<semaphore_mem>>)
    %dma_start3A_35 = arith.constant 2 : i32
    %dma_start3A_36 = arith.constant 0 : i32
    %dma_start3A_37 = tpu.memref_slice %arg5[%dma_start3A_35, %dma_start3A_36] : memref<79x128xi32, #tpu.memory_space<vmem>> -> memref<1x128xi32, #tpu.memory_space<vmem>>
    %dma_start3A_38 = tpu.memref_squeeze %dma_start3A_37 : memref<1x128xi32, #tpu.memory_space<vmem>> -> memref<128xi32, #tpu.memory_space<vmem>>
    %dma_start3A_39 = arith.constant 0 : i32
    %dma_start3A_40 = arith.constant 0 : i32
    %dma_start3A_41 = tpu.memref_slice %arg2[%dma_start3A_39, %dma_start3A_40] : memref<10240x128xbf16, #tpu.memory_space<hbm>> -> memref<10240x128xbf16, #tpu.memory_space<hbm>>
    tpu.enqueue_indirect_dma source(%dma_start3A_41 : memref<10240x128xbf16, #tpu.memory_space<hbm>>) target(%arg9 : memref<128x128xbf16, #tpu.memory_space<vmem>>) offsets(%dma_start3A_38 : memref<128xi32, #tpu.memory_space<vmem>>) semaphore(%arg14 : memref<!tpu.dma_semaphore, #tpu.memory_space<semaphore_mem>>)
    %dma_start3A_42 = arith.constant 3 : i32
    %dma_start3A_43 = arith.constant 0 : i32
    %dma_start3A_44 = tpu.memref_slice %arg5[%dma_start3A_42, %dma_start3A_43] : memref<79x128xi32, #tpu.memory_space<vmem>> -> memref<1x128xi32, #tpu.memory_space<vmem>>
    %dma_start3A_45 = tpu.memref_squeeze %dma_start3A_44 : memref<1x128xi32, #tpu.memory_space<vmem>> -> memref<128xi32, #tpu.memory_space<vmem>>
    %dma_start3A_46 = arith.constant 0 : i32
    %dma_start3A_47 = arith.constant 0 : i32
    %dma_start3A_48 = tpu.memref_slice %arg2[%dma_start3A_46, %dma_start3A_47] : memref<10240x128xbf16, #tpu.memory_space<hbm>> -> memref<10240x128xbf16, #tpu.memory_space<hbm>>
    tpu.enqueue_indirect_dma source(%dma_start3A_48 : memref<10240x128xbf16, #tpu.memory_space<hbm>>) target(%arg10 : memref<128x128xbf16, #tpu.memory_space<vmem>>) offsets(%dma_start3A_45 : memref<128xi32, #tpu.memory_space<vmem>>) semaphore(%arg15 : memref<!tpu.dma_semaphore, #tpu.memory_space<semaphore_mem>>)
    %scan3A = arith.constant 0 : i32
    %scan3A_49 = arith.constant 0 : i32
    %scan3A_50 = arith.constant 20 : i32
    %scan3A_51 = arith.addi %scan3A_49, %scan3A_50 : i32
    %scan3A_52 = arith.constant 1 : i32
    %scan3A_53 = scf.for %scan3A_63 = %scan3A_49 to %scan3A_51 step %scan3A_52 iter_args(%scan3A_64 = %scan3A) -> (i32)  : i32 {
      %mul3A_65 = arith.constant 4 : i32
      %mul3A_66 = arith.muli %scan3A_63, %mul3A_65 : i32
      %add3A_67 = arith.constant 0 : i32
      %add3A_68 = arith.addi %mul3A_66, %add3A_67 : i32
      %lt3A_69 = arith.cmpi slt, %add3A_68, %add3A_7 : i32
      %convert_element_type3A_70 = arith.extui %lt3A_69 : i1 to i32
      %cond3A_71 = arith.constant 0 : i32
      %cond3A_72 = arith.cmpi ne, %convert_element_type3A_70, %cond3A_71 : i32
      scf.if %cond3A_72 {
        %dma_wait3A = arith.constant 0 : i32
        %dma_wait3A_116 = arith.constant 0 : i32
        %dma_wait3A_117 = tpu.memref_slice %arg2[%dma_wait3A, %dma_wait3A_116] : memref<10240x128xbf16, #tpu.memory_space<hbm>> -> memref<128x128xbf16, #tpu.memory_space<hbm>>
        %dma_wait3A_118 = arith.constant 0 : i32
        %dma_wait3A_119 = arith.constant 0 : i32
        %dma_wait3A_120 = tpu.memref_slice %arg2[%dma_wait3A_118, %dma_wait3A_119] : memref<10240x128xbf16, #tpu.memory_space<hbm>> -> memref<128x128xbf16, #tpu.memory_space<hbm>>
        tpu.wait_dma2 semaphore(%arg12 : memref<!tpu.dma_semaphore, #tpu.memory_space<semaphore_mem>>) src(%dma_wait3A_120 : memref<128x128xbf16, #tpu.memory_space<hbm>>) dst(%arg7 : memref<128x128xbf16, #tpu.memory_space<vmem>>)
        "tpu.region"() ({
          %run_scoped3A = tpu.sem_alloc : memref<!tpu.dma_semaphore, #tpu.memory_space<semaphore_mem>>
          %dma_start3A_121 = arith.constant 0 : i32
          %dma_start3A_122 = tpu.memref_slice %arg6[%add3A_68, %dma_start3A_121] : memref<79x128xi32, #tpu.memory_space<vmem>> -> memref<1x128xi32, #tpu.memory_space<vmem>>
          %dma_start3A_123 = tpu.memref_squeeze %dma_start3A_122 : memref<1x128xi32, #tpu.memory_space<vmem>> -> memref<128xi32, #tpu.memory_space<vmem>>
          %dma_start3A_124 = arith.constant 0 : i32
          %dma_start3A_125 = arith.constant 0 : i32
          %dma_start3A_126 = tpu.memref_slice %arg11[%dma_start3A_124, %dma_start3A_125] : memref<10240x128xbf16, #tpu.memory_space<vmem_shared>> -> memref<10240x128xbf16, #tpu.memory_space<vmem_shared>>
          tpu.enqueue_indirect_dma source(%arg7 : memref<128x128xbf16, #tpu.memory_space<vmem>>) target(%dma_start3A_126 : memref<10240x128xbf16, #tpu.memory_space<vmem_shared>>) offsets(%dma_start3A_123 : memref<128xi32, #tpu.memory_space<vmem>>) semaphore(%run_scoped3A : memref<!tpu.dma_semaphore, #tpu.memory_space<semaphore_mem>>) {add = true}
          %dma_wait3A_127 = arith.constant 0 : i32
          %dma_wait3A_128 = tpu.memref_slice %arg6[%add3A_68, %dma_wait3A_127] : memref<79x128xi32, #tpu.memory_space<vmem>> -> memref<1x128xi32, #tpu.memory_space<vmem>>
          %dma_wait3A_129 = tpu.memref_squeeze %dma_wait3A_128 : memref<1x128xi32, #tpu.memory_space<vmem>> -> memref<128xi32, #tpu.memory_space<vmem>>
          %dma_wait3A_130 = arith.constant 0 : i32
          %dma_wait3A_131 = arith.constant 0 : i32
          %dma_wait3A_132 = tpu.memref_slice %arg11[%dma_wait3A_130, %dma_wait3A_131] : memref<10240x128xbf16, #tpu.memory_space<vmem_shared>> -> memref<10240x128xbf16, #tpu.memory_space<vmem_shared>>
          tpu.wait_indirect_dma semaphore(%run_scoped3A : memref<!tpu.dma_semaphore, #tpu.memory_space<semaphore_mem>>) src(%arg7 : memref<128x128xbf16, #tpu.memory_space<vmem>>) dst(%dma_wait3A_132 : memref<10240x128xbf16, #tpu.memory_space<vmem_shared>>)
          tpu.yield
        }) : () -> ()
      } else {
      }
      %add3A_73 = arith.constant 4 : i32
      %add3A_74 = arith.addi %add3A_68, %add3A_73 : i32
      %lt3A_75 = arith.cmpi slt, %add3A_74, %add3A_7 : i32
      %convert_element_type3A_76 = arith.extui %lt3A_75 : i1 to i32
      %cond3A_77 = arith.constant 0 : i32
      %cond3A_78 = arith.cmpi ne, %convert_element_type3A_76, %cond3A_77 : i32
      scf.if %cond3A_78 {
        %add3A_116 = arith.constant 4 : i32
        %add3A_117 = arith.addi %add3A_68, %add3A_116 : i32
        %dma_start3A_118 = arith.constant 0 : i32
        %dma_start3A_119 = tpu.memref_slice %arg5[%add3A_117, %dma_start3A_118] : memref<79x128xi32, #tpu.memory_space<vmem>> -> memref<1x128xi32, #tpu.memory_space<vmem>>
        %dma_start3A_120 = tpu.memref_squeeze %dma_start3A_119 : memref<1x128xi32, #tpu.memory_space<vmem>> -> memref<128xi32, #tpu.memory_space<vmem>>
        %dma_start3A_121 = arith.constant 0 : i32
        %dma_start3A_122 = arith.constant 0 : i32
        %dma_start3A_123 = tpu.memref_slice %arg2[%dma_start3A_121, %dma_start3A_122] : memref<10240x128xbf16, #tpu.memory_space<hbm>> -> memref<10240x128xbf16, #tpu.memory_space<hbm>>
        tpu.enqueue_indirect_dma source(%dma_start3A_123 : memref<10240x128xbf16, #tpu.memory_space<hbm>>) target(%arg7 : memref<128x128xbf16, #tpu.memory_space<vmem>>) offsets(%dma_start3A_120 : memref<128xi32, #tpu.memory_space<vmem>>) semaphore(%arg12 : memref<!tpu.dma_semaphore, #tpu.memory_space<semaphore_mem>>)
      } else {
      }
      %add3A_79 = arith.constant 1 : i32
      %add3A_80 = arith.addi %mul3A_66, %add3A_79 : i32
      %lt3A_81 = arith.cmpi slt, %add3A_80, %add3A_7 : i32
      %convert_element_type3A_82 = arith.extui %lt3A_81 : i1 to i32
      %cond3A_83 = arith.constant 0 : i32
      %cond3A_84 = arith.cmpi ne, %convert_element_type3A_82, %cond3A_83 : i32
      scf.if %cond3A_84 {
        %dma_wait3A = arith.constant 0 : i32
        %dma_wait3A_116 = arith.constant 0 : i32
        %dma_wait3A_117 = tpu.memref_slice %arg2[%dma_wait3A, %dma_wait3A_116] : memref<10240x128xbf16, #tpu.memory_space<hbm>> -> memref<128x128xbf16, #tpu.memory_space<hbm>>
        %dma_wait3A_118 = arith.constant 0 : i32
        %dma_wait3A_119 = arith.constant 0 : i32
        %dma_wait3A_120 = tpu.memref_slice %arg2[%dma_wait3A_118, %dma_wait3A_119] : memref<10240x128xbf16, #tpu.memory_space<hbm>> -> memref<128x128xbf16, #tpu.memory_space<hbm>>
        tpu.wait_dma2 semaphore(%arg13 : memref<!tpu.dma_semaphore, #tpu.memory_space<semaphore_mem>>) src(%dma_wait3A_120 : memref<128x128xbf16, #tpu.memory_space<hbm>>) dst(%arg8 : memref<128x128xbf16, #tpu.memory_space<vmem>>)
        "tpu.region"() ({
          %run_scoped3A = tpu.sem_alloc : memref<!tpu.dma_semaphore, #tpu.memory_space<semaphore_mem>>
          %dma_start3A_121 = arith.constant 0 : i32
          %dma_start3A_122 = tpu.memref_slice %arg6[%add3A_80, %dma_start3A_121] : memref<79x128xi32, #tpu.memory_space<vmem>> -> memref<1x128xi32, #tpu.memory_space<vmem>>
          %dma_start3A_123 = tpu.memref_squeeze %dma_start3A_122 : memref<1x128xi32, #tpu.memory_space<vmem>> -> memref<128xi32, #tpu.memory_space<vmem>>
          %dma_start3A_124 = arith.constant 0 : i32
          %dma_start3A_125 = arith.constant 0 : i32
          %dma_start3A_126 = tpu.memref_slice %arg11[%dma_start3A_124, %dma_start3A_125] : memref<10240x128xbf16, #tpu.memory_space<vmem_shared>> -> memref<10240x128xbf16, #tpu.memory_space<vmem_shared>>
          tpu.enqueue_indirect_dma source(%arg8 : memref<128x128xbf16, #tpu.memory_space<vmem>>) target(%dma_start3A_126 : memref<10240x128xbf16, #tpu.memory_space<vmem_shared>>) offsets(%dma_start3A_123 : memref<128xi32, #tpu.memory_space<vmem>>) semaphore(%run_scoped3A : memref<!tpu.dma_semaphore, #tpu.memory_space<semaphore_mem>>) {add = true}
          %dma_wait3A_127 = arith.constant 0 : i32
          %dma_wait3A_128 = tpu.memref_slice %arg6[%add3A_80, %dma_wait3A_127] : memref<79x128xi32, #tpu.memory_space<vmem>> -> memref<1x128xi32, #tpu.memory_space<vmem>>
          %dma_wait3A_129 = tpu.memref_squeeze %dma_wait3A_128 : memref<1x128xi32, #tpu.memory_space<vmem>> -> memref<128xi32, #tpu.memory_space<vmem>>
          %dma_wait3A_130 = arith.constant 0 : i32
          %dma_wait3A_131 = arith.constant 0 : i32
          %dma_wait3A_132 = tpu.memref_slice %arg11[%dma_wait3A_130, %dma_wait3A_131] : memref<10240x128xbf16, #tpu.memory_space<vmem_shared>> -> memref<10240x128xbf16, #tpu.memory_space<vmem_shared>>
          tpu.wait_indirect_dma semaphore(%run_scoped3A : memref<!tpu.dma_semaphore, #tpu.memory_space<semaphore_mem>>) src(%arg8 : memref<128x128xbf16, #tpu.memory_space<vmem>>) dst(%dma_wait3A_132 : memref<10240x128xbf16, #tpu.memory_space<vmem_shared>>)
          tpu.yield
        }) : () -> ()
      } else {
      }
      %add3A_85 = arith.constant 4 : i32
      %add3A_86 = arith.addi %add3A_80, %add3A_85 : i32
      %lt3A_87 = arith.cmpi slt, %add3A_86, %add3A_7 : i32
      %convert_element_type3A_88 = arith.extui %lt3A_87 : i1 to i32
      %cond3A_89 = arith.constant 0 : i32
      %cond3A_90 = arith.cmpi ne, %convert_element_type3A_88, %cond3A_89 : i32
      scf.if %cond3A_90 {
        %add3A_116 = arith.constant 4 : i32
        %add3A_117 = arith.addi %add3A_80, %add3A_116 : i32
        %dma_start3A_118 = arith.constant 0 : i32
        %dma_start3A_119 = tpu.memref_slice %arg5[%add3A_117, %dma_start3A_118] : memref<79x128xi32, #tpu.memory_space<vmem>> -> memref<1x128xi32, #tpu.memory_space<vmem>>
        %dma_start3A_120 = tpu.memref_squeeze %dma_start3A_119 : memref<1x128xi32, #tpu.memory_space<vmem>> -> memref<128xi32, #tpu.memory_space<vmem>>
        %dma_start3A_121 = arith.constant 0 : i32
        %dma_start3A_122 = arith.constant 0 : i32
        %dma_start3A_123 = tpu.memref_slice %arg2[%dma_start3A_121, %dma_start3A_122] : memref<10240x128xbf16, #tpu.memory_space<hbm>> -> memref<10240x128xbf16, #tpu.memory_space<hbm>>
        tpu.enqueue_indirect_dma source(%dma_start3A_123 : memref<10240x128xbf16, #tpu.memory_space<hbm>>) target(%arg8 : memref<128x128xbf16, #tpu.memory_space<vmem>>) offsets(%dma_start3A_120 : memref<128xi32, #tpu.memory_space<vmem>>) semaphore(%arg13 : memref<!tpu.dma_semaphore, #tpu.memory_space<semaphore_mem>>)
      } else {
      }
      %add3A_91 = arith.constant 2 : i32
      %add3A_92 = arith.addi %mul3A_66, %add3A_91 : i32
      %lt3A_93 = arith.cmpi slt, %add3A_92, %add3A_7 : i32
      %convert_element_type3A_94 = arith.extui %lt3A_93 : i1 to i32
      %cond3A_95 = arith.constant 0 : i32
      %cond3A_96 = arith.cmpi ne, %convert_element_type3A_94, %cond3A_95 : i32
      scf.if %cond3A_96 {
        %dma_wait3A = arith.constant 0 : i32
        %dma_wait3A_116 = arith.constant 0 : i32
        %dma_wait3A_117 = tpu.memref_slice %arg2[%dma_wait3A, %dma_wait3A_116] : memref<10240x128xbf16, #tpu.memory_space<hbm>> -> memref<128x128xbf16, #tpu.memory_space<hbm>>
        %dma_wait3A_118 = arith.constant 0 : i32
        %dma_wait3A_119 = arith.constant 0 : i32
        %dma_wait3A_120 = tpu.memref_slice %arg2[%dma_wait3A_118, %dma_wait3A_119] : memref<10240x128xbf16, #tpu.memory_space<hbm>> -> memref<128x128xbf16, #tpu.memory_space<hbm>>
        tpu.wait_dma2 semaphore(%arg14 : memref<!tpu.dma_semaphore, #tpu.memory_space<semaphore_mem>>) src(%dma_wait3A_120 : memref<128x128xbf16, #tpu.memory_space<hbm>>) dst(%arg9 : memref<128x128xbf16, #tpu.memory_space<vmem>>)
        "tpu.region"() ({
          %run_scoped3A = tpu.sem_alloc : memref<!tpu.dma_semaphore, #tpu.memory_space<semaphore_mem>>
          %dma_start3A_121 = arith.constant 0 : i32
          %dma_start3A_122 = tpu.memref_slice %arg6[%add3A_92, %dma_start3A_121] : memref<79x128xi32, #tpu.memory_space<vmem>> -> memref<1x128xi32, #tpu.memory_space<vmem>>
          %dma_start3A_123 = tpu.memref_squeeze %dma_start3A_122 : memref<1x128xi32, #tpu.memory_space<vmem>> -> memref<128xi32, #tpu.memory_space<vmem>>
          %dma_start3A_124 = arith.constant 0 : i32
          %dma_start3A_125 = arith.constant 0 : i32
          %dma_start3A_126 = tpu.memref_slice %arg11[%dma_start3A_124, %dma_start3A_125] : memref<10240x128xbf16, #tpu.memory_space<vmem_shared>> -> memref<10240x128xbf16, #tpu.memory_space<vmem_shared>>
          tpu.enqueue_indirect_dma source(%arg9 : memref<128x128xbf16, #tpu.memory_space<vmem>>) target(%dma_start3A_126 : memref<10240x128xbf16, #tpu.memory_space<vmem_shared>>) offsets(%dma_start3A_123 : memref<128xi32, #tpu.memory_space<vmem>>) semaphore(%run_scoped3A : memref<!tpu.dma_semaphore, #tpu.memory_space<semaphore_mem>>) {add = true}
          %dma_wait3A_127 = arith.constant 0 : i32
          %dma_wait3A_128 = tpu.memref_slice %arg6[%add3A_92, %dma_wait3A_127] : memref<79x128xi32, #tpu.memory_space<vmem>> -> memref<1x128xi32, #tpu.memory_space<vmem>>
          %dma_wait3A_129 = tpu.memref_squeeze %dma_wait3A_128 : memref<1x128xi32, #tpu.memory_space<vmem>> -> memref<128xi32, #tpu.memory_space<vmem>>
          %dma_wait3A_130 = arith.constant 0 : i32
          %dma_wait3A_131 = arith.constant 0 : i32
          %dma_wait3A_132 = tpu.memref_slice %arg11[%dma_wait3A_130, %dma_wait3A_131] : memref<10240x128xbf16, #tpu.memory_space<vmem_shared>> -> memref<10240x128xbf16, #tpu.memory_space<vmem_shared>>
          tpu.wait_indirect_dma semaphore(%run_scoped3A : memref<!tpu.dma_semaphore, #tpu.memory_space<semaphore_mem>>) src(%arg9 : memref<128x128xbf16, #tpu.memory_space<vmem>>) dst(%dma_wait3A_132 : memref<10240x128xbf16, #tpu.memory_space<vmem_shared>>)
          tpu.yield
        }) : () -> ()
      } else {
      }
      %add3A_97 = arith.constant 4 : i32
      %add3A_98 = arith.addi %add3A_92, %add3A_97 : i32
      %lt3A_99 = arith.cmpi slt, %add3A_98, %add3A_7 : i32
      %convert_element_type3A_100 = arith.extui %lt3A_99 : i1 to i32
      %cond3A_101 = arith.constant 0 : i32
      %cond3A_102 = arith.cmpi ne, %convert_element_type3A_100, %cond3A_101 : i32
      scf.if %cond3A_102 {
        %add3A_116 = arith.constant 4 : i32
        %add3A_117 = arith.addi %add3A_92, %add3A_116 : i32
        %dma_start3A_118 = arith.constant 0 : i32
        %dma_start3A_119 = tpu.memref_slice %arg5[%add3A_117, %dma_start3A_118] : memref<79x128xi32, #tpu.memory_space<vmem>> -> memref<1x128xi32, #tpu.memory_space<vmem>>
        %dma_start3A_120 = tpu.memref_squeeze %dma_start3A_119 : memref<1x128xi32, #tpu.memory_space<vmem>> -> memref<128xi32, #tpu.memory_space<vmem>>
        %dma_start3A_121 = arith.constant 0 : i32
        %dma_start3A_122 = arith.constant 0 : i32
        %dma_start3A_123 = tpu.memref_slice %arg2[%dma_start3A_121, %dma_start3A_122] : memref<10240x128xbf16, #tpu.memory_space<hbm>> -> memref<10240x128xbf16, #tpu.memory_space<hbm>>
        tpu.enqueue_indirect_dma source(%dma_start3A_123 : memref<10240x128xbf16, #tpu.memory_space<hbm>>) target(%arg9 : memref<128x128xbf16, #tpu.memory_space<vmem>>) offsets(%dma_start3A_120 : memref<128xi32, #tpu.memory_space<vmem>>) semaphore(%arg14 : memref<!tpu.dma_semaphore, #tpu.memory_space<semaphore_mem>>)
      } else {
      }
      %add3A_103 = arith.constant 3 : i32
      %add3A_104 = arith.addi %mul3A_66, %add3A_103 : i32
      %lt3A_105 = arith.cmpi slt, %add3A_104, %add3A_7 : i32
      %convert_element_type3A_106 = arith.extui %lt3A_105 : i1 to i32
      %cond3A_107 = arith.constant 0 : i32
      %cond3A_108 = arith.cmpi ne, %convert_element_type3A_106, %cond3A_107 : i32
      scf.if %cond3A_108 {
        %dma_wait3A = arith.constant 0 : i32
        %dma_wait3A_116 = arith.constant 0 : i32
        %dma_wait3A_117 = tpu.memref_slice %arg2[%dma_wait3A, %dma_wait3A_116] : memref<10240x128xbf16, #tpu.memory_space<hbm>> -> memref<128x128xbf16, #tpu.memory_space<hbm>>
        %dma_wait3A_118 = arith.constant 0 : i32
        %dma_wait3A_119 = arith.constant 0 : i32
        %dma_wait3A_120 = tpu.memref_slice %arg2[%dma_wait3A_118, %dma_wait3A_119] : memref<10240x128xbf16, #tpu.memory_space<hbm>> -> memref<128x128xbf16, #tpu.memory_space<hbm>>
        tpu.wait_dma2 semaphore(%arg15 : memref<!tpu.dma_semaphore, #tpu.memory_space<semaphore_mem>>) src(%dma_wait3A_120 : memref<128x128xbf16, #tpu.memory_space<hbm>>) dst(%arg10 : memref<128x128xbf16, #tpu.memory_space<vmem>>)
        "tpu.region"() ({
          %run_scoped3A = tpu.sem_alloc : memref<!tpu.dma_semaphore, #tpu.memory_space<semaphore_mem>>
          %dma_start3A_121 = arith.constant 0 : i32
          %dma_start3A_122 = tpu.memref_slice %arg6[%add3A_104, %dma_start3A_121] : memref<79x128xi32, #tpu.memory_space<vmem>> -> memref<1x128xi32, #tpu.memory_space<vmem>>
          %dma_start3A_123 = tpu.memref_squeeze %dma_start3A_122 : memref<1x128xi32, #tpu.memory_space<vmem>> -> memref<128xi32, #tpu.memory_space<vmem>>
          %dma_start3A_124 = arith.constant 0 : i32
          %dma_start3A_125 = arith.constant 0 : i32
          %dma_start3A_126 = tpu.memref_slice %arg11[%dma_start3A_124, %dma_start3A_125] : memref<10240x128xbf16, #tpu.memory_space<vmem_shared>> -> memref<10240x128xbf16, #tpu.memory_space<vmem_shared>>
          tpu.enqueue_indirect_dma source(%arg10 : memref<128x128xbf16, #tpu.memory_space<vmem>>) target(%dma_start3A_126 : memref<10240x128xbf16, #tpu.memory_space<vmem_shared>>) offsets(%dma_start3A_123 : memref<128xi32, #tpu.memory_space<vmem>>) semaphore(%run_scoped3A : memref<!tpu.dma_semaphore, #tpu.memory_space<semaphore_mem>>) {add = true}
          %dma_wait3A_127 = arith.constant 0 : i32
          %dma_wait3A_128 = tpu.memref_slice %arg6[%add3A_104, %dma_wait3A_127] : memref<79x128xi32, #tpu.memory_space<vmem>> -> memref<1x128xi32, #tpu.memory_space<vmem>>
          %dma_wait3A_129 = tpu.memref_squeeze %dma_wait3A_128 : memref<1x128xi32, #tpu.memory_space<vmem>> -> memref<128xi32, #tpu.memory_space<vmem>>
          %dma_wait3A_130 = arith.constant 0 : i32
          %dma_wait3A_131 = arith.constant 0 : i32
          %dma_wait3A_132 = tpu.memref_slice %arg11[%dma_wait3A_130, %dma_wait3A_131] : memref<10240x128xbf16, #tpu.memory_space<vmem_shared>> -> memref<10240x128xbf16, #tpu.memory_space<vmem_shared>>
          tpu.wait_indirect_dma semaphore(%run_scoped3A : memref<!tpu.dma_semaphore, #tpu.memory_space<semaphore_mem>>) src(%arg10 : memref<128x128xbf16, #tpu.memory_space<vmem>>) dst(%dma_wait3A_132 : memref<10240x128xbf16, #tpu.memory_space<vmem_shared>>)
          tpu.yield
        }) : () -> ()
      } else {
      }
      %add3A_109 = arith.constant 4 : i32
      %add3A_110 = arith.addi %add3A_104, %add3A_109 : i32
      %lt3A_111 = arith.cmpi slt, %add3A_110, %add3A_7 : i32
      %convert_element_type3A_112 = arith.extui %lt3A_111 : i1 to i32
      %cond3A_113 = arith.constant 0 : i32
      %cond3A_114 = arith.cmpi ne, %convert_element_type3A_112, %cond3A_113 : i32
      scf.if %cond3A_114 {
        %add3A_116 = arith.constant 4 : i32
        %add3A_117 = arith.addi %add3A_104, %add3A_116 : i32
        %dma_start3A_118 = arith.constant 0 : i32
        %dma_start3A_119 = tpu.memref_slice %arg5[%add3A_117, %dma_start3A_118] : memref<79x128xi32, #tpu.memory_space<vmem>> -> memref<1x128xi32, #tpu.memory_space<vmem>>
        %dma_start3A_120 = tpu.memref_squeeze %dma_start3A_119 : memref<1x128xi32, #tpu.memory_space<vmem>> -> memref<128xi32, #tpu.memory_space<vmem>>
        %dma_start3A_121 = arith.constant 0 : i32
        %dma_start3A_122 = arith.constant 0 : i32
        %dma_start3A_123 = tpu.memref_slice %arg2[%dma_start3A_121, %dma_start3A_122] : memref<10240x128xbf16, #tpu.memory_space<hbm>> -> memref<10240x128xbf16, #tpu.memory_space<hbm>>
        tpu.enqueue_indirect_dma source(%dma_start3A_123 : memref<10240x128xbf16, #tpu.memory_space<hbm>>) target(%arg10 : memref<128x128xbf16, #tpu.memory_space<vmem>>) offsets(%dma_start3A_120 : memref<128xi32, #tpu.memory_space<vmem>>) semaphore(%arg15 : memref<!tpu.dma_semaphore, #tpu.memory_space<semaphore_mem>>)
      } else {
      }
      %scan3A_115 = arith.constant 0 : i32
      scf.yield %scan3A_115 : i32
    }
    %scan3A_54 = arith.constant 20 : i32
    %barrier3A_55 = arith.constant 0 : index
    tpu.barrier barrier_id(%barrier3A_55)
    %scan3A_56 = arith.constant 0 : i32
    %scan3A_57 = arith.constant 0 : i32
    %scan3A_58 = arith.constant 5 : i32
    %scan3A_59 = arith.addi %scan3A_57, %scan3A_58 : i32
    %scan3A_60 = arith.constant 1 : i32
    %scan3A_61 = scf.for %scan3A_63 = %scan3A_57 to %scan3A_59 step %scan3A_60 iter_args(%scan3A_64 = %scan3A_56) -> (i32)  : i32 {
      %mul3A_65 = arith.constant 640 : i32
      %mul3A_66 = arith.muli %arg1, %mul3A_65 : i32
      %mul3A_67 = arith.constant 128 : i32
      %mul3A_68 = arith.muli %scan3A_63, %mul3A_67 : i32
      %add3A_69 = arith.addi %mul3A_66, %mul3A_68 : i32
      "tpu.region"() ({
        %run_scoped3A = tpu.sem_alloc : memref<!tpu.dma_semaphore, #tpu.memory_space<semaphore_mem>>
        %dma_start3A_71 = arith.constant 0 : i32
        %dma_start3A_72 = tpu.memref_slice %arg4[%arg0, %add3A_69, %dma_start3A_71] : memref<2x10240x128xbf16, #tpu.memory_space<hbm>> -> memref<1x128x128xbf16, #tpu.memory_space<hbm>>
        %dma_start3A_73 = tpu.memref_squeeze %dma_start3A_72 : memref<1x128x128xbf16, #tpu.memory_space<hbm>> -> memref<128x128xbf16, #tpu.memory_space<hbm>>
        %dma_start3A_74 = arith.constant 0 : i32
        %dma_start3A_75 = tpu.memref_slice %arg11[%add3A_69, %dma_start3A_74] : memref<10240x128xbf16, #tpu.memory_space<vmem_shared>> -> memref<128x128xbf16, #tpu.memory_space<vmem_shared>>
        tpu.enqueue_dma source(%dma_start3A_75 : memref<128x128xbf16, #tpu.memory_space<vmem_shared>>) target(%dma_start3A_73 : memref<128x128xbf16, #tpu.memory_space<hbm>>) target_semaphore(%run_scoped3A : memref<!tpu.dma_semaphore, #tpu.memory_space<semaphore_mem>>)
        %dma_wait3A = arith.constant 0 : i32
        %dma_wait3A_76 = tpu.memref_slice %arg4[%arg0, %add3A_69, %dma_wait3A] : memref<2x10240x128xbf16, #tpu.memory_space<hbm>> -> memref<1x128x128xbf16, #tpu.memory_space<hbm>>
        %dma_wait3A_77 = tpu.memref_squeeze %dma_wait3A_76 : memref<1x128x128xbf16, #tpu.memory_space<hbm>> -> memref<128x128xbf16, #tpu.memory_space<hbm>>
        %dma_wait3A_78 = arith.constant 0 : i32
        %dma_wait3A_79 = tpu.memref_slice %arg11[%add3A_69, %dma_wait3A_78] : memref<10240x128xbf16, #tpu.memory_space<vmem_shared>> -> memref<128x128xbf16, #tpu.memory_space<vmem_shared>>
        tpu.wait_dma2 semaphore(%run_scoped3A : memref<!tpu.dma_semaphore, #tpu.memory_space<semaphore_mem>>) src(%dma_wait3A_79 : memref<128x128xbf16, #tpu.memory_space<vmem_shared>>) dst(%dma_wait3A_77 : memref<128x128xbf16, #tpu.memory_space<hbm>>)
        tpu.yield
      }) : () -> ()
      %scan3A_70 = arith.constant 0 : i32
      scf.yield %scan3A_70 : i32
    }
    %scan3A_62 = arith.constant 5 : i32
    return
  }
}

module attributes {stable_mosaic.version = 14 : i64} {
  func.func @_mm_body(%arg0: memref<10000x128xf32, #tpu.memory_space<vmem>>, %arg1: memref<128x128xf32, #tpu.memory_space<vmem>>, %arg2: memref<10000x128xf32, #tpu.memory_space<vmem>>) attributes {dimension_semantics = [], scalar_prefetch = 0 : i64, scratch_operands = 0 : i64, tpu.core_type = #tpu.core_type<tc>} {
    %get3A = arith.constant 0 : index
    %get3A_0 = arith.constant 0 : index
    %get3A_1 = vector.load %arg0[%get3A, %get3A_0] : memref<10000x128xf32, #tpu.memory_space<vmem>>, vector<10000x128xf32>
    %get3A_2 = arith.constant 0 : index
    %get3A_3 = arith.constant 0 : index
    %get3A_4 = vector.load %arg1[%get3A_2, %get3A_3] : memref<128x128xf32, #tpu.memory_space<vmem>>, vector<128x128xf32>
    %dot_general3A = arith.constant dense<0.000000e+00> : vector<10000x128xf32>
    %dot_general3A_5 = tpu.matmul %get3A_1, %get3A_4, %dot_general3A {dimension_numbers = #tpu.dot_dimension_numbers<[1], [0], [0], [1], [0, 0, 1, 1], [], []>, transpose_lhs_hint = false} : vector<10000x128xf32>, vector<128x128xf32>, vector<10000x128xf32> -> vector<10000x128xf32>
    %swap3A = arith.constant 0 : index
    %swap3A_6 = arith.constant 0 : index
    %swap3A_7 = vector.load %arg2[%swap3A, %swap3A_6] : memref<10000x128xf32, #tpu.memory_space<vmem>>, vector<10000x128xf32>
    tpu.vector_store %arg2[%swap3A, %swap3A_6], %dot_general3A_5 {strides = array<i32>} : memref<10000x128xf32, #tpu.memory_space<vmem>>, vector<10000x128xf32>,
    return
  }
}

module attributes {stable_mosaic.version = 14 : i64} {
  func.func @_scale_body(%arg0: memref<10000x128xf32, #tpu.memory_space<vmem>>, %arg1: memref<20480xf32, #tpu.memory_space<vmem>>, %arg2: memref<10240x128xbf16, #tpu.memory_space<vmem>>, %arg3: memref<10000xf32, #tpu.memory_space<vmem>>) attributes {dimension_semantics = [], scalar_prefetch = 0 : i64, scratch_operands = 0 : i64, tpu.core_type = #tpu.core_type<tc>} {
    %get3A = arith.constant 0 : index
    %get3A_0 = vector.load %arg1[%get3A] : memref<20480xf32, #tpu.memory_space<vmem>>, vector<20480xf32>
    %slice3A = vector.extract_strided_slice %get3A_0 {offsets = [0], sizes = [10240], strides = [1]} : vector<20480xf32> to vector<10240xf32>
    %add3A = arith.constant 1.000000e+00 : f32
    %add3A_1 = vector.broadcast %add3A : f32 to vector<10240xf32>
    %add3A_2 = arith.addf %add3A_1, %slice3A : vector<10240xf32>
    %slice3A_3 = vector.extract_strided_slice %get3A_0 {offsets = [10240], sizes = [10240], strides = [1]} : vector<20480xf32> to vector<10240xf32>
    %add3A_4 = arith.addf %add3A_2, %slice3A_3 : vector<10240xf32>
    %rsqrt3A = math.rsqrt %add3A_4 : vector<10240xf32>
    %slice3A_5 = vector.extract_strided_slice %rsqrt3A {offsets = [0], sizes = [10000], strides = [1]} : vector<10240xf32> to vector<10000xf32>
    %get3A_6 = arith.constant 0 : index
    %get3A_7 = arith.constant 0 : index
    %get3A_8 = vector.load %arg0[%get3A_6, %get3A_7] : memref<10000x128xf32, #tpu.memory_space<vmem>>, vector<10000x128xf32>
    %broadcast_in_dim3A = vector.shape_cast %slice3A_5 : vector<10000xf32> to vector<10000x1xf32>
    %mul3A = vector.broadcast %broadcast_in_dim3A : vector<10000x1xf32> to vector<10000x128xf32>
    %mul3A_9 = arith.mulf %get3A_8, %mul3A : vector<10000x128xf32>
    %convert_element_type3A = arith.truncf %mul3A_9 : vector<10000x128xf32> to vector<10000x128xbf16>
    %swap3A = arith.constant 0 : index
    %swap3A_10 = arith.constant 0 : index
    %swap3A_11 = vector.load %arg2[%swap3A, %swap3A_10] : memref<10240x128xbf16, #tpu.memory_space<vmem>>, vector<10000x128xbf16>
    tpu.vector_store %arg2[%swap3A, %swap3A_10], %convert_element_type3A {strides = array<i32>} : memref<10240x128xbf16, #tpu.memory_space<vmem>>, vector<10000x128xbf16>,
    %broadcast_in_dim3A_12 = arith.constant 0.000000e+00 : bf16
    %broadcast_in_dim3A_13 = vector.broadcast %broadcast_in_dim3A_12 : bf16 to vector<240x128xbf16>
    %swap3A_14 = arith.constant 10000 : index
    %swap3A_15 = arith.constant 0 : index
    %swap3A_16 = vector.load %arg2[%swap3A_14, %swap3A_15] : memref<10240x128xbf16, #tpu.memory_space<vmem>>, vector<240x128xbf16>
    tpu.vector_store %arg2[%swap3A_14, %swap3A_15], %broadcast_in_dim3A_13 {strides = array<i32>} : memref<10240x128xbf16, #tpu.memory_space<vmem>>, vector<240x128xbf16>,
    %swap3A_17 = arith.constant 0 : index
    %swap3A_18 = vector.load %arg3[%swap3A_17] : memref<10000xf32, #tpu.memory_space<vmem>>, vector<10000xf32>
    tpu.vector_store %arg3[%swap3A_17], %slice3A_5 {strides = array<i32>} : memref<10000xf32, #tpu.memory_space<vmem>>, vector<10000xf32>,
    return
  }
}

module attributes {stable_mosaic.version = 14 : i64} {
  func.func @_bn_body(%arg0: memref<2x10240x128xbf16, #tpu.memory_space<vmem>>, %arg1: memref<10000xf32, #tpu.memory_space<vmem>>, %arg2: memref<128xf32, #tpu.memory_space<vmem>>, %arg3: memref<128xf32, #tpu.memory_space<vmem>>, %arg4: memref<128xf32, #tpu.memory_space<vmem>>, %arg5: memref<10000x128xf32, #tpu.memory_space<vmem>>) attributes {dimension_semantics = [], scalar_prefetch = 0 : i64, scratch_operands = 0 : i64, tpu.core_type = #tpu.core_type<tc>} {
    %get3A = arith.constant 0 : index
    %get3A_0 = arith.constant 0 : index
    %get3A_1 = arith.constant 0 : index
    %get3A_2 = vector.load %arg0[%get3A, %get3A_0, %get3A_1] : memref<2x10240x128xbf16, #tpu.memory_space<vmem>>, vector<1x10000x128xbf16>
    %get3A_3 = vector.shape_cast %get3A_2 : vector<1x10000x128xbf16> to vector<10000x128xbf16>
    %convert_element_type3A = arith.extf %get3A_3 : vector<10000x128xbf16> to vector<10000x128xf32>
    %get3A_4 = arith.constant 1 : index
    %get3A_5 = arith.constant 0 : index
    %get3A_6 = arith.constant 0 : index
    %get3A_7 = vector.load %arg0[%get3A_4, %get3A_5, %get3A_6] : memref<2x10240x128xbf16, #tpu.memory_space<vmem>>, vector<1x10000x128xbf16>
    %get3A_8 = vector.shape_cast %get3A_7 : vector<1x10000x128xbf16> to vector<10000x128xbf16>
    %convert_element_type3A_9 = arith.extf %get3A_8 : vector<10000x128xbf16> to vector<10000x128xf32>
    %add3A = arith.addf %convert_element_type3A, %convert_element_type3A_9 : vector<10000x128xf32>
    %get3A_10 = arith.constant 0 : index
    %get3A_11 = vector.load %arg1[%get3A_10] : memref<10000xf32, #tpu.memory_space<vmem>>, vector<10000xf32>
    %broadcast_in_dim3A = vector.shape_cast %get3A_11 : vector<10000xf32> to vector<10000x1xf32>
    %mul3A = vector.broadcast %broadcast_in_dim3A : vector<10000x1xf32> to vector<10000x128xf32>
    %mul3A_12 = arith.mulf %add3A, %mul3A : vector<10000x128xf32>
    %get3A_13 = arith.constant 0 : index
    %get3A_14 = vector.load %arg2[%get3A_13] : memref<128xf32, #tpu.memory_space<vmem>>, vector<128xf32>
    %broadcast_in_dim3A_15 = vector.shape_cast %get3A_14 : vector<128xf32> to vector<1x128xf32>
    %add3A_16 = vector.broadcast %broadcast_in_dim3A_15 : vector<1x128xf32> to vector<10000x128xf32>
    %add3A_17 = arith.addf %mul3A_12, %add3A_16 : vector<10000x128xf32>
    %reduce_sum3A = arith.constant dense<0.000000e+00> : vector<128xf32>
    %reduce_sum3A_18 = vector.multi_reduction <add>, %add3A_17, %reduce_sum3A [0] : vector<10000x128xf32> to vector<128xf32>
    %div3A = arith.constant 1.000000e+04 : f32
    %div3A_19 = vector.broadcast %div3A : f32 to vector<128xf32>
    %div3A_20 = arith.divf %reduce_sum3A_18, %div3A_19 : vector<128xf32>
    %broadcast_in_dim3A_21 = vector.shape_cast %div3A_20 : vector<128xf32> to vector<1x128xf32>
    %sub3A = vector.broadcast %broadcast_in_dim3A_21 : vector<1x128xf32> to vector<10000x128xf32>
    %sub3A_22 = arith.subf %add3A_17, %sub3A : vector<10000x128xf32>
    %mul3A_23 = arith.mulf %sub3A_22, %sub3A_22 : vector<10000x128xf32>
    %reduce_sum3A_24 = arith.constant dense<0.000000e+00> : vector<128xf32>
    %reduce_sum3A_25 = vector.multi_reduction <add>, %mul3A_23, %reduce_sum3A_24 [0] : vector<10000x128xf32> to vector<128xf32>
    %div3A_26 = arith.constant 1.000000e+04 : f32
    %div3A_27 = vector.broadcast %div3A_26 : f32 to vector<128xf32>
    %div3A_28 = arith.divf %reduce_sum3A_25, %div3A_27 : vector<128xf32>
    %add3A_29 = arith.constant 9.99999974E-6 : f32
    %add3A_30 = vector.broadcast %add3A_29 : f32 to vector<128xf32>
    %add3A_31 = arith.addf %div3A_28, %add3A_30 : vector<128xf32>
    %rsqrt3A = math.rsqrt %add3A_31 : vector<128xf32>
    %broadcast_in_dim3A_32 = vector.shape_cast %rsqrt3A : vector<128xf32> to vector<1x128xf32>
    %mul3A_33 = vector.broadcast %broadcast_in_dim3A_32 : vector<1x128xf32> to vector<10000x128xf32>
    %mul3A_34 = arith.mulf %sub3A_22, %mul3A_33 : vector<10000x128xf32>
    %get3A_35 = arith.constant 0 : index
    %get3A_36 = vector.load %arg3[%get3A_35] : memref<128xf32, #tpu.memory_space<vmem>>, vector<128xf32>
    %broadcast_in_dim3A_37 = vector.shape_cast %get3A_36 : vector<128xf32> to vector<1x128xf32>
    %mul3A_38 = vector.broadcast %broadcast_in_dim3A_37 : vector<1x128xf32> to vector<10000x128xf32>
    %mul3A_39 = arith.mulf %mul3A_34, %mul3A_38 : vector<10000x128xf32>
    %get3A_40 = arith.constant 0 : index
    %get3A_41 = vector.load %arg4[%get3A_40] : memref<128xf32, #tpu.memory_space<vmem>>, vector<128xf32>
    %broadcast_in_dim3A_42 = vector.shape_cast %get3A_41 : vector<128xf32> to vector<1x128xf32>
    %add3A_43 = vector.broadcast %broadcast_in_dim3A_42 : vector<1x128xf32> to vector<10000x128xf32>
    %add3A_44 = arith.addf %mul3A_39, %add3A_43 : vector<10000x128xf32>
    %ge3A = arith.constant 0.000000e+00 : f32
    %ge3A_45 = vector.broadcast %ge3A : f32 to vector<10000x128xf32>
    %ge3A_46 = arith.cmpf oge, %add3A_44, %ge3A_45 : vector<10000x128xf32>
    %mul3A_47 = arith.constant 0.00999999977 : f32
    %mul3A_48 = vector.broadcast %mul3A_47 : f32 to vector<10000x128xf32>
    %mul3A_49 = arith.mulf %mul3A_48, %add3A_44 : vector<10000x128xf32>
    %select_n3A = arith.select %ge3A_46, %add3A_44, %mul3A_49 : vector<10000x128xi1>, vector<10000x128xf32>
    %swap3A = arith.constant 0 : index
    %swap3A_50 = arith.constant 0 : index
    %swap3A_51 = vector.load %arg5[%swap3A, %swap3A_50] : memref<10000x128xf32, #tpu.memory_space<vmem>>, vector<10000x128xf32>
    tpu.vector_store %arg5[%swap3A, %swap3A_50], %select_n3A {strides = array<i32>} : memref<10000x128xf32, #tpu.memory_space<vmem>>, vector<10000x128xf32>,
    return
  }
}

</mosaic_0001>

<sc_bundles>
// kernel: kernel.10.cloned.1.call-start
scs
__scs_entry_jumppad:
0x0: {  	(pc) =	sbr.rel $0x88, $3  }
0x1: {  	(tag) =	ssettag $0x0;
	lr =	simm.s32 $0x1  }
0x2: {  	[smem:$0x3F9B] =	sst lr;
	_ =	strace $0xD0000000  }
0x3: {  	_ = 	snop  }
0x4: {  	_ = 	snop  }
0x5: {  	_ = 	snop  }
0x6: {  	_ = 	snop  }
0x7: {  	_ = 	snop  }
__scs_overlays_trampoline_lowered:
0x8: {  	[smem:$0x3FAA] =	sst s0  }
0x9: {  	[smem:$0x3FAB] =	sst s1  }
0xa: {  	[smem:$0x3FAC] =	sst s2  }
0xb: {  	[smem:$0x3FAD] =	sst s3  }
0xc: {  	[smem:$0x3FAE] =	sst s4  }
0xd: {  	[smem:$0x3FAF] =	sst s5  }
0xe: {  	[smem:$0x3FB0] =	sst s6  }
0xf: {  	[smem:$0x3FB1] =	sst s7  }
0x10: {  	[smem:$0x3FB2] =	sst s8  }
0x11: {  	[smem:$0x3FB3] =	sst s9;
	s0 =	simm.s32 @!p0 $0x0  }
0x12: {  	s1 =	sld [smem:$0x3F99];
	s0 =	simm.s32 @p0 $0x1  }
0x13: {  	[smem:$0x3FB4] =	sst s0;
	s0 =	simm.s32 @!p1 $0x0  }
0x14: {  	s2 =	sld [smem:$0x3F98];
	s0 =	simm.s32 @p1 $0x1  }
0x15: {  	[smem:$0x3FB5] =	sst s0;
	s0 =	simm.s32 @!p2 $0x0  }
0x16: {  	s3 =	sld [smem:$0x3FDB];
	s0 =	simm.s32 @p2 $0x1  }
0x17: {  	s4 =	simm.s32 $0x1BF5;
	[smem:$0x3FB7] =	sst s0  }
0x18: {  	s0 =	sld [smem:$0x3F9A];
	_ =	swait.ge [sflag:s4], $0x0  }
0x19: {  	s7 =	sld [smem:$0x3F9B]  }
0x1a: {  	s8 =	sadd.s32 $0xFFFFE003, lr  }
0x1b: {  	s9 =	sadd.s32 $0xFFFFFEF7, lr;
	s5 =	simm.s32 $0xFFFFFFFF;
	p2 =	slt.u32 s8, $0xFFFFF086  }
0x1c: {  	p1 =	slt.u32 s9, $0xF7A;
	s5 =	simm.s32 @!p2 $0x0  }
0x1d: {  	s5 =	simm.s32 @p1 $0x1;
	p0 =	seq.s32 s7, s2  }
0x1e: {  	s7 =	smul.u32 @!p0 $0xF7A, s2;
	p2 =	seq.s32 @!p0 s5, $0x0  }
0x1f: {  	s9 =	smul.u32 $0xF7A, s1;
	s8 =	simm.s32 @!p0 $0x1BF5;
	p2 =	por !p2, p0  }
0x20: {  	[sflag:s8] =	ssyncset.s32 @!p0 $0xFFFFF086;
	s6 =	sadd.s32 @!p0 s3, s7;
	s7 =	simm.s32 @!p0 $0x108  }
0x21: {  	s3 =	sadd.s32 s3, s9;
	s6 =	sadd.s32 @!p0 $0x88, s6;
	s7 =	simm.s32 @p2 $0x1082  }
0x22: {  	[simem:s7], [sflag:s8] =	dma.local @!p0 [hbm:s6], $0xF7A  }
0x23: {  	s9 =	sor.u32 $0xD0000000, s2;
	s6 =	simm.s32 $0x108;
	_ =	swait.ge @!p0 [sflag:s8], $0x0  }
0x24: {  	s3 =	sadd.s32 $0x88, s3;
	s6 =	simm.s32 @!p1 $0x1082;
	[sflag:s4] =	ssyncset.s32 $0xFFFFF086  }
0x25: {  	[simem:s6], [sflag:s4] =	dma.local [hbm:s3], $0xF7A  }
0x26: {  	[smem:$0x3F9B] =	sst s1;
	(tag) =	ssettag s2;
	_ =	strace s9  }
0x27: {  	s1 =	sld [smem:$0x3FAB]  }
0x28: {  	s2 =	sld [smem:$0x3FAC]  }
0x29: {  	s4 =	sld [smem:$0x3FAE]  }
0x2a: {  	p0 =	seq.s32 s5, $0x0;
	s5 =	sld [smem:$0x3FAF]  }
0x2b: {  	s6 =	sld [smem:$0x3FB0]  }
0x2c: {  	s7 =	sld [smem:$0x3FB1]  }
0x2d: {  	s3 =	simm.s32 $0x108;
	s8 =	sld [smem:$0x3FB2]  }
0x2e: {  	s3 =	simm.s32 @!p0 $0x1082;
	s9 =	sld [smem:$0x3FB3]  }
0x2f: {  	lr =	sadd.s32 s0, s3;
	s0 =	sld [smem:$0x3FAA]  }
0x30: {  	s3 =	sld [smem:$0x3FAD]  }
0x31: {  	[smem:$0x3FB6] =	sst s10  }
0x32: {  	s10 =	sld [smem:$0x3FB4];
	_ =	sdelay $0x3  }
0x33: {  	p0 =	seq.s32 s10, $0x1;
	s10 =	sld [smem:$0x3FB6];
	_ =	sdelay $0x3  }
0x34: {  	[smem:$0x3FB6] =	sst s10  }
0x35: {  	s10 =	sld [smem:$0x3FB5];
	_ =	sdelay $0x3  }
0x36: {  	p1 =	seq.s32 s10, $0x1;
	s10 =	sld [smem:$0x3FB6];
	_ =	sdelay $0x3  }
0x37: {  	[smem:$0x3FB6] =	sst s10  }
0x38: {  	s10 =	sld [smem:$0x3FB7]  }
0x39: {  	_ = 	snop;
	(pc) =	sbr.ind lr, $3  }
0x3a: {  	_ = 	snop  }
0x3b: {  	_ = 	snop  }
0x3c: {  	p2 =	seq.s32 s10, $0x1;
	s10 =	sld [smem:$0x3FB6]  }
0x3d: {  	_ =	shalt  }
0x3e: {  	_ =	shalt  }
0x3f: {  	_ =	shalt  }
0x40: {  	_ =	shalt  }
0x41: {  	_ =	shalt  }
0x42: {  	_ =	shalt  }
0x43: {  	_ =	shalt  }
0x44: {  	_ =	shalt  }
0x45: {  	_ =	shalt  }
0x46: {  	_ =	shalt  }
0x47: {  	_ =	shalt  }
0x48: {  	_ =	shalt  }
0x49: {  	_ =	shalt  }
0x4a: {  	_ =	shalt  }
0x4b: {  	_ =	shalt  }
0x4c: {  	_ =	shalt  }
0x4d: {  	_ =	shalt  }
0x4e: {  	_ =	shalt  }
0x4f: {  	_ =	shalt  }
0x50: {  	_ =	shalt  }
0x51: {  	_ =	shalt  }
0x52: {  	_ =	shalt  }
0x53: {  	_ =	shalt  }
0x54: {  	_ =	shalt  }
0x55: {  	_ =	shalt  }
0x56: {  	_ =	shalt  }
0x57: {  	_ =	shalt  }
0x58: {  	_ =	shalt  }
0x59: {  	_ =	shalt  }
0x5a: {  	_ =	shalt  }
0x5b: {  	_ =	shalt  }
0x5c: {  	_ =	shalt  }
0x5d: {  	_ =	shalt  }
0x5e: {  	_ =	shalt  }
0x5f: {  	_ =	shalt  }
0x60: {  	_ =	shalt  }
0x61: {  	_ =	shalt  }
0x62: {  	_ =	shalt  }
0x63: {  	_ =	shalt  }
0x64: {  	_ =	shalt  }
0x65: {  	_ =	shalt  }
0x66: {  	_ =	shalt  }
0x67: {  	_ =	shalt  }
0x68: {  	_ =	shalt  }
0x69: {  	_ =	shalt  }
0x6a: {  	_ =	shalt  }
0x6b: {  	_ =	shalt  }
0x6c: {  	_ =	shalt  }
0x6d: {  	_ =	shalt  }
0x6e: {  	_ =	shalt  }
0x6f: {  	_ =	shalt  }
0x70: {  	_ =	shalt  }
0x71: {  	_ =	shalt  }
0x72: {  	_ =	shalt  }
0x73: {  	_ =	shalt  }
0x74: {  	_ =	shalt  }
0x75: {  	_ =	shalt  }
0x76: {  	_ =	shalt  }
0x77: {  	_ =	shalt  }
0x78: {  	_ =	shalt  }
0x79: {  	_ =	shalt  }
0x7a: {  	_ =	shalt  }
0x7b: {  	_ =	shalt  }
0x7c: {  	_ =	shalt  }
0x7d: {  	_ =	shalt  }
0x7e: {  	_ =	shalt  }
0x7f: {  	_ =	shalt  }
0x80: {  	_ =	shalt  }
0x81: {  	_ =	shalt  }
0x82: {  	_ =	shalt  }
0x83: {  	_ =	shalt  }
0x84: {  	_ =	shalt  }
0x85: {  	_ =	shalt  }
0x86: {  	_ =	shalt  }
0x87: {  	_ =	shalt  }
.Lfunc_end0:
.L_simem_size_0:
called_computation.1_lowered:
.L_overlay_start_0:
0x88: {  	s2 =	sld [smem:$0x3FD9]  }
0x89: {  	s3 =	sld [smem:$0x3FFE];
	_ =	sdelay $0x1  }
0x8a: {  	s1 =	srdreg.scid  }
0x8b: {  	s0 =	sand.u32 $0x1, s1  }
0x8c: {  	s17 =	sshll.u32 s0, $0xA;
	s2 =	sadd.s32 s3, s2  }
0x8d: {  	s2 =	sadd.s32 s2, s17  }
0x8e: {  	[smem:$0x3FC2] =	sst s2  }
0x8f: {  	_ = 	snop  }
0x90: {  	s2 =	sld [smem:$0x3FD0];
	(tm) =	ssettm $0x1  }
0x91: {  	s18 =	sld [smem:$0x3FFB];
	_ =	sdelay $0x3  }
0x92: {  	_ =	strace s18  }
0x93: {  	s3 =	sld [smem:$0x3FFC];
	_ =	sdelay $0x3  }
0x94: {  	_ =	strace s3  }
0x95: {  	s3 =	sld [smem:$0x3FFD];
	_ =	sdelay $0x3  }
0x96: {  	_ =	strace s3  }
0x97: {  	_ =	strace $0x8FFFFFFF  }
0x98: {  	s19 =	sld [smem:$0x3FDB];
	_ =	sdelay $0x1  }
0x99: {  	s4 =	simm.s32 $_scs_section_size  }
0x9a: {  	s5 =	simm.s32 $_size__tile_overlayer_lowered;
	s6 =	simm.s32 $_tile_overlayer_lowered  }
0x9b: {  	s22 =	simm.s32 $0x1BFF;
	s21 =	sshll.u32 s6, $0x1;
	s3 =	sadd.s32 s4, s19  }
0x9c: {  	s7 =	simm.s32 $0x0;
	s20 =	sshll.u32 s5, $0x1;
	s5 =	sadd.s32 s21, s3  }
0x9d: {  	[timem:s7], [sflag:s22] =	dma.local [hbm:s5], s20  }
0x9e: {  	_ =	swait.ge [sflag:s22], s20  }
0x9f: {  	s4 =	ssub.s32 $0x0, s20;
	[sflag:s22] =	ssyncset.done $0x0  }
0xa0: {  	[sflag:s22] =	ssyncadd.s32 s4;
	_ =	sdelay $0x1  }
0xa1: {  	s23 =	simm.s32 $0x1B8B  }
0xa2: {  	_ =	swait.ge [sflag:s23], $0x1  }
0xa3: {  	[sflag:s23] =	ssyncset.done $0x0  }
0xa4: {  	s25 =	simm.s32 $0x1B8E;
	s24 =	sld [smem:$0x3FFE];
	[sflag:s23] =	ssyncadd.s32 $0xFFFFFFFF  }
0xa5: {  	s26 =	simm.s32 $execute0_lowered;
	[smem:$0x3FD2] =	sst s25  }
0xa6: {  	s5 =	sshll.u32 s26, $0x1;
	_ =	strace $0x80000049;
	[dreg:$0x1] =	wrdreg $0xFFFFFFFF  }
0xa7: {  	s28 =	simm.s32 $_size_execute0_lowered;
	s3 =	sadd.s32 s3, s5;
	[dreg:$0x0] =	wrdreg $0x0  }
0xa8: {  	s5 =	sshll.u32 s28, $0x1;
	[dreg:$0x2] =	wrdreg s3  }
0xa9: {  	[dreg:$0x3] =	wrdreg s5  }
0xaa: {  	[dreg:$0x4] =	wrdreg $0xC0  }
0xab: {  	_ =	task [dreg:s7], $0x5FFFF  }
0xac: {  	[dreg:$0x1] =	wrdreg $0xFFFFFFFF  }
0xad: {  	[dreg:$0x0] =	wrdreg $0x60  }
0xae: {  	[dreg:$0x2] =	wrdreg s2  }
0xaf: {  	[dreg:$0x3] =	wrdreg s24  }
0xb0: {  	[dreg:$0x4] =	wrdreg $0xCF000  }
0xb1: {  	[dreg:$0x5] =	wrdreg $0x9  }
0xb2: {  	_ =	task.clear_ibuf [dreg:s7], $0x6FFFF;
	_ =	strace $0x90000049  }
0xb3: {  	s29 =	simm.s32 $0x9;
	_ =	strace $0x8000004B  }
0xb4: {  	_ =	swait.ge [sflag:s29], $0x1  }
0xb5: {  	[sflag:s29] =	ssyncadd.s32 $0xFFFFFFFF  }
0xb6: {  	_ =	strace $0x9000004B  }
0xb7: {  	_ =	sfence  }
0xb8: {  	s30 =	sld [smem:$0x0];
	_ =	sdelay $0x2  }
0xb9: {  	s31 =	sshll.u32 s1, $0xD;
	s1 =	sshrl.u32 s1, $0x2  }
0xba: {  	s3 =	sand.u32 $0x4000, s31;
	s1 =	sadd.s32 s1, s30  }
0xbb: {  	s0 =	sor.u32 s3, s0;
	s1 =	sshll.u32 s1, $0x11  }
0xbc: {  	s0 =	sor.u32 s1, s0  }
0xbd: {  	s0 =	sadd.s32 $0x8F2B, s0  }
0xbe: {  	[sflag:s0] =	ssyncadd.remote.s32 $0x1  }
0xbf: {  	_ =	sfence.sel $0xFFFF  }
0xc0: {  	[dreg:$0x0] =	wrdreg $0xFFFFFFFF;
	(pc) =	sbr.abs _section_cstart, $3  }
0xc1: {  	[dreg:$0x1] =	wrdreg $0xFFFFFFFF  }
0xc2: {  	_ =	task.clear_ibuf [dreg:s7], $0x2FFFF;
	_ =	strace $0x9FFFFFFF  }
0xc3: {  	(tm) =	ssettm $0x7FFFFFFF  }
tec
execute0_lowered:
.L_overlay_start_1:
0x0: {  	(tag) =	ssettag $0x1  }
0x1: {  	s0 =	srdreg.scid;
	s1 =	rddreg [dreg:$0x0]  }
0x2: {  	s8 =	stileid.u32;
	s5 =	rddreg [dreg:$0x1]  }
0x3: {  	s3 =	rddreg [dreg:$0x2];
	s4 =	simm.s32 $0x0;
	s31 =	simm.s32 $0x4F00  }
0x4: {  	s28 =	simm.s32 $0x4;
	s29 =	simm.s32 $0x0;
	s12 =	smul.u32 $0x14000, s8  }
0x5: {  	s0 =	sand.u32 $0x1, s0;
	[smem:$0x7FF] =	sst s4;
	s16 =	smul.u32 $0x28000, s8  }
0x6: {  	s2 =	sshll.u32 s0, $0x4;
	_ =	strace $0x8000004A;
	s15 =	ssub.s32 $0x2, s0  }
0x7: {  	s14 =	smul.u32 $0x140000, s0;
	p0 =	seq.s32 s0, $0x1;
	s2 =	sor.u32 s8, s2  }
0x8: {  	s17 =	sshrl.u32 s15, $0x1;
	s18 =	sshrl.u32 s16, $0x2;
	s21 =	sshrl.u32 s12, $0x4  }
0x9: {  	s13 =	sshrl.u32 s12, $0x1;
	s16 =	sadd.s32 $0x4000, s12;
	s6 =	smul.u32 $0x4E, s2  }
0xa: {  	s7 =	smin.u32 s2, $0x4;
	s11 =	ssub.s32 s15, s17;
	s20 =	sadd.s32 s14, s12  }
0xb: {  	s13 =	sadd.s32 s13, s3;
	s22 =	sshrl.u32 s16, $0x4;
	s23 =	sshrl.u32 s16, $0x1  }
0xc: {  	s17 =	sadd.s32 $0x8000, s12;
	s16 =	sadd.s32 s14, s16;
	p1 =	sgt.u32 s2, $0x3  }
0xd: {  	s2 =	simm.s32 $0x5;
	s0 =	sshrl.u32 s20, $0x4;
	s11 =	smax.u32 s11, $0x1  }
0xe: {  	s15 =	sadd.s32 s23, s3;
	s24 =	sshrl.u32 s17, $0x4;
	s6 =	sadd.s32 s7, s6  }
0xf: {  	s20 =	sshrl.u32 s17, $0x1;
	s17 =	sadd.s32 s14, s17;
	s6 =	sshll.u32 s6, $0x4  }
0x10: {  	s16 =	sshrl.u32 s16, $0x4;
	s17 =	sshrl.u32 s17, $0x4;
	s9 =	sadd.s32 s6, s5  }
0x11: {  	s5 =	sadd.s32 $0x15600, s5;
	s6 =	sadd.s32 s18, s3;
	s19 =	sadd.s32 $0x1C00, s9  }
0x12: {  	s7 =	sadd.s32 $0xB840, s9;
	s8 =	sadd.s32 $0x20E0, s9;
	s9 =	sadd.s32 $0xBD20, s9  }
0x13: {  	s10 =	sadd.s32 s5, s0;
	s0 =	sadd.s32 s1, s21;
	[dreg:$0x4] =	wrdreg s6  }
0x14: {  	s16 =	sadd.s32 s5, s16;
	s17 =	sadd.s32 s5, s17;
	[dreg:$0x5] =	wrdreg s19  }
0x15: {  	s21 =	sadd.s32 s20, s3;
	[dreg:$0x6] =	wrdreg s0;
	s0 =	sadd.s32 s1, s22  }
0x16: {  	s22 =	sadd.s32 $0xC000, s12;
	s12 =	sadd.s32 $0x10000, s12;
	[dreg:$0x7] =	wrdreg s0  }
0x17: {  	s18 =	sadd.s32 s14, s22;
	s14 =	sadd.s32 s14, s12;
	s25 =	sshrl.u32 s22, $0x4  }
0x18: {  	s0 =	sadd.s32 s1, s24;
	s30 =	sshrl.u32 s22, $0x1;
	s20 =	sshrl.u32 s12, $0x1  }
0x19: {  	s22 =	sadd.s32 $0x2000, s6;
	s24 =	sadd.s32 $0x4000, s6;
	s18 =	sshrl.u32 s18, $0x4  }
0x1a: {  	s14 =	sshrl.u32 s14, $0x4;
	[dreg:$0x8] =	wrdreg s0;
	s26 =	sadd.s32 s1, s25  }
0x1b: {  	s23 =	sadd.s32 s30, s3;
	s25 =	sadd.s32 s20, s3;
	[dreg:$0xb] =	wrdreg s22  }
0x1c: {  	[dreg:$0xc] =	wrdreg s24;
	s30 =	sadd.s32 $0x8000, s6;
	s22 =	simm.s32 $0x8F00  }
0x1d: {  	s24 =	simm.s32 $0xAF00;
	s20 =	simm.s32 $0x1;
	s0 =	simm.s32 $0x2  }
0x1e: {  	s18 =	sadd.s32 s5, s18;
	s19 =	sadd.s32 s5, s14;
	[dreg:$0x9] =	wrdreg s26  }
0x1f: {  	s5 =	sshrl.u32 s12, $0x4;
	s26 =	sadd.s32 $0x6000, s6;
	[dreg:$0xe] =	wrdreg s30  }
0x20: {  	s12 =	simm.s32 $0x80;
	s14 =	sadd.s32 s1, s5;
	[dreg:$0xd] =	wrdreg s26  }
0x21: {  	v0 =	vimm.bf16 $0.0e+00;
	s26 =	simm.s32 $0x3;
	[dreg:$0xa] =	wrdreg s14;
	s14 =	simm.s32 $0x6F00  }
.LBB2_1:
.Ltmp0:
0x22: {  	(pc) =	sbr.rel @!p0 .LBB2_2-.Ltmp0, $1  }
0x23: {  	_ =	sdelay $0x3  }
0x24: {  	s30 =	simm.s32 $0x100;
	s5 =	simm.s32 $0x0  }
.LBB2_4:
0x25: {  	p2 =	seq.s32 s30, $0x7F00;
	[tilespmem:s5+$0x4F30] =	vst v0;
	s6 =	smov.u32 s30;
	s30 =	sadd.s32 $0x100, s30  }
.Ltmp1:
0x26: {  	[tilespmem:s5+$0x4F20] =	vst v0;
	(pc) =	sbr.rel @!p2 .LBB2_4-.Ltmp1, $3  }
0x27: {  	[tilespmem:s5+$0x4F00] =	vst v0  }
0x28: {  	[tilespmem:s5+$0x4F10] =	vst v0;
	_ =	sdelay $0x1  }
0x29: {  	s5 =	sshra.s32 s6, $0x2  }
0x2a: {  	[tilespmem:s5+$0x4F30] =	vst v0  }
0x2b: {  	[tilespmem:s5+$0x4F20] =	vst v0  }
0x2c: {  	[tilespmem:s5+$0x4F00] =	vst v0  }
0x2d: {  	[tilespmem:s5+$0x4F10] =	vst v0;
	s30 =	rddreg [dreg:$0x4]  }
0x2e: {  	[spmem:s30] =	stream.linear.scatter [tilespmem:s31], [sflag:$0x5], $0x2000, $0x38;
	[tilespmem:$0x16F00] =	vst v63  }
0x2f: {  	_ =	swait.ge [sflag:s2], $0x2000  }
0x30: {  	[sflag:s2] =	ssyncset.done $0x0  }
0x31: {  	s6 =	rddreg [dreg:$0xb];
	[sflag:s2] =	ssyncadd.s32 $0xFFFFE000  }
0x32: {  	[spmem:s6] =	stream.linear.scatter [tilespmem:s31], [sflag:$0x5], $0x2000, $0x38;
	[tilespmem:$0x16F00] =	vst v63  }
0x33: {  	_ =	swait.ge [sflag:s2], $0x2000  }
0x34: {  	[sflag:s2] =	ssyncset.done $0x0  }
0x35: {  	s30 =	rddreg [dreg:$0xc];
	[sflag:s2] =	ssyncadd.s32 $0xFFFFE000  }
0x36: {  	[spmem:s30] =	stream.linear.scatter [tilespmem:s31], [sflag:$0x5], $0x2000, $0x38;
	[tilespmem:$0x16F00] =	vst v63  }
0x37: {  	_ =	swait.ge [sflag:s2], $0x2000  }
0x38: {  	[sflag:s2] =	ssyncset.done $0x0  }
0x39: {  	s6 =	rddreg [dreg:$0xd];
	[sflag:s2] =	ssyncadd.s32 $0xFFFFE000  }
0x3a: {  	[spmem:s6] =	stream.linear.scatter [tilespmem:s31], [sflag:$0x5], $0x2000, $0x38;
	[tilespmem:$0x16F00] =	vst v63  }
.Ltmp2:
0x3b: {  	_ = 	snop;
	(pc) =	sbr.rel .LBB2_6-.Ltmp2, $4  }
0x3c: {  	_ =	swait.ge [sflag:s2], $0x2000  }
0x3d: {  	[sflag:s2] =	ssyncset.done $0x0  }
0x3e: {  	s30 =	rddreg [dreg:$0xe];
	[sflag:s2] =	ssyncadd.s32 $0xFFFFE000  }
0x3f: {  	[spmem:s30] =	stream.linear.scatter [tilespmem:s31], [sflag:$0x5], $0x2000, $0x38;
	[tilespmem:$0x16F00] =	vst v63  }
.LBB2_2:
0x40: {  	s5 =	rddreg [dreg:$0x6]  }
0x41: {  	[tilespmem:s31], [sflag:$0x5] =	stream.linear.gather [hbm4b:s5+s4], $0x2000, $0x38;
	[tilespmem:$0x16F00] =	vst v63  }
0x42: {  	_ =	swait.ge [sflag:s2], $0x2000  }
0x43: {  	[sflag:s2] =	ssyncset.done $0x0  }
0x44: {  	[sflag:s2] =	ssyncadd.s32 $0xFFFFE000  }
0x45: {  	[spmem:s13] =	stream.linear.scatter [tilespmem:s31], [sflag:$0x5], $0x2000, $0x38;
	[tilespmem:$0x16F00] =	vst v63  }
0x46: {  	_ =	swait.ge [sflag:s2], $0x2000  }
0x47: {  	[sflag:s2] =	ssyncset.done $0x0  }
0x48: {  	s6 =	rddreg [dreg:$0x7];
	[sflag:s2] =	ssyncadd.s32 $0xFFFFE000  }
0x49: {  	[tilespmem:s31], [sflag:$0x5] =	stream.linear.gather [hbm4b:s6+s4], $0x2000, $0x38;
	[tilespmem:$0x16F00] =	vst v63  }
0x4a: {  	_ =	swait.ge [sflag:s2], $0x2000  }
0x4b: {  	[sflag:s2] =	ssyncset.done $0x0  }
0x4c: {  	[sflag:s2] =	ssyncadd.s32 $0xFFFFE000  }
0x4d: {  	[spmem:s15] =	stream.linear.scatter [tilespmem:s31], [sflag:$0x5], $0x2000, $0x38;
	[tilespmem:$0x16F00] =	vst v63  }
0x4e: {  	_ =	swait.ge [sflag:s2], $0x2000  }
0x4f: {  	[sflag:s2] =	ssyncset.done $0x0  }
0x50: {  	s30 =	rddreg [dreg:$0x8];
	[sflag:s2] =	ssyncadd.s32 $0xFFFFE000  }
0x51: {  	[tilespmem:s31], [sflag:$0x5] =	stream.linear.gather [hbm4b:s30+s4], $0x2000, $0x38;
	[tilespmem:$0x16F00] =	vst v63  }
0x52: {  	_ =	swait.ge [sflag:s2], $0x2000  }
0x53: {  	[sflag:s2] =	ssyncset.done $0x0  }
0x54: {  	[sflag:s2] =	ssyncadd.s32 $0xFFFFE000  }
0x55: {  	[spmem:s21] =	stream.linear.scatter [tilespmem:s31], [sflag:$0x5], $0x2000, $0x38;
	[tilespmem:$0x16F00] =	vst v63  }
0x56: {  	_ =	swait.ge [sflag:s2], $0x2000  }
0x57: {  	[sflag:s2] =	ssyncset.done $0x0  }
0x58: {  	s6 =	rddreg [dreg:$0x9];
	[sflag:s2] =	ssyncadd.s32 $0xFFFFE000  }
0x59: {  	[tilespmem:s31], [sflag:$0x5] =	stream.linear.gather [hbm4b:s6+s4], $0x2000, $0x38;
	[tilespmem:$0x16F00] =	vst v63  }
0x5a: {  	_ =	swait.ge [sflag:s2], $0x2000  }
0x5b: {  	[sflag:s2] =	ssyncset.done $0x0  }
0x5c: {  	[sflag:s2] =	ssyncadd.s32 $0xFFFFE000  }
0x5d: {  	[spmem:s23] =	stream.linear.scatter [tilespmem:s31], [sflag:$0x5], $0x2000, $0x38;
	[tilespmem:$0x16F00] =	vst v63  }
0x5e: {  	_ =	swait.ge [sflag:s2], $0x2000  }
0x5f: {  	[sflag:s2] =	ssyncset.done $0x0  }
0x60: {  	s30 =	rddreg [dreg:$0xa];
	[sflag:s2] =	ssyncadd.s32 $0xFFFFE000  }
0x61: {  	[tilespmem:s31], [sflag:$0x5] =	stream.linear.gather [hbm4b:s30+s4], $0x2000, $0x38;
	[tilespmem:$0x16F00] =	vst v63  }
0x62: {  	_ =	swait.ge [sflag:s2], $0x2000  }
0x63: {  	[sflag:s2] =	ssyncset.done $0x0  }
0x64: {  	[sflag:s2] =	ssyncadd.s32 $0xFFFFE000  }
0x65: {  	[spmem:s25] =	stream.linear.scatter [tilespmem:s31], [sflag:$0x5], $0x2000, $0x38;
	[tilespmem:$0x16F00] =	vst v63  }
.LBB2_6:
0x66: {  	_ =	swait.ge [sflag:s2], $0x2000  }
0x67: {  	[sflag:s2] =	ssyncset.done $0x0  }
0x68: {  	s5 =	rddreg [dreg:$0x5];
	[sflag:s2] =	ssyncadd.s32 $0xFFFFE000  }
0x69: {  	[tilespmem:s4], [sflag:$0x5] =	stream.linear.gather [hbm4b:s5+s4], $0x2700, $0x38;
	[tilespmem:$0x16F00] =	vst v63  }
0x6a: {  	_ =	swait.ge [sflag:s2], $0x2700  }
0x6b: {  	[sflag:s2] =	ssyncset.done $0x0  }
0x6c: {  	s6 =	simm.s32 $0x2780;
	[sflag:s2] =	ssyncadd.s32 $0xFFFFD900  }
0x6d: {  	[tilespmem:s6], [sflag:$0x5] =	stream.linear.gather [hbm4b:s7+s4], $0x2700, $0x38;
	[tilespmem:$0x16F00] =	vst v63  }
0x6e: {  	_ =	swait.ge [sflag:s2], $0x2700  }
0x6f: {  	[sflag:s2] =	ssyncset.done $0x0  }
0x70: {  	s5 =	simm.s32 @!p1 $0x0;
	s6 =	simm.s32 @!p1 $0x2700;
	[sflag:s2] =	ssyncadd.s32 $0xFFFFD900  }
0x71: {  	[tilespmem:s6], [sflag:$0x5] =	stream.linear.gather @!p1 [hbm4b:s8+s5], $0x80, $0x38;
	[tilespmem:$0x16F00] =	vst v63  }
0x72: {  	s6 =	simm.s32 @!p1 $0x5  }
0x73: {  	_ =	swait.ge @!p1 [sflag:s6], $0x80  }
0x74: {  	[sflag:s6] =	ssyncset.done @!p1 $0x0  }
0x75: {  	s30 =	simm.s32 @!p1 $0x4E80;
	[sflag:s6] =	ssyncadd.s32 @!p1 $0xFFFFFF80  }
0x76: {  	[tilespmem:s30], [sflag:$0x5] =	stream.linear.gather @!p1 [hbm4b:s9+s5], $0x80, $0x38;
	[tilespmem:$0x16F00] =	vst v63  }
0x77: {  	_ =	swait.ge @!p1 [sflag:s6], $0x80  }
0x78: {  	[sflag:s6] =	ssyncset.done @!p1 $0x0  }
0x79: {  	[sflag:s6] =	ssyncadd.s32 @!p1 $0xFFFFFF80  }
0x7a: {  	s6 =	simm.s32 $0x0;
	[bflag:$0x0] =	sbarrier.arrive $0xFFFF  }
0x7b: {  	[tilespmem:s31], [sflag:$0x1] =	stream.indirect.gather [hbm4b:s1+s12], $0x40, s6, s12, $0xb8;
	[tilespmem:$0x16F00] =	vst v63  }
0x7c: {  	_ = 	snop  }
0x7d: {  	[tilespmem:s14], [sflag:$0x2] =	stream.indirect.gather [hbm4b:s1+s12], $0x40, s12, s12, $0xb8;
	[tilespmem:$0x16F00] =	vst v63  }
0x7e: {  	s6 =	simm.s32 $0x100  }
0x7f: {  	[tilespmem:s22], [sflag:$0x3] =	stream.indirect.gather [hbm4b:s1+s12], $0x40, s6, s12, $0xb8;
	[tilespmem:$0x16F00] =	vst v63  }
0x80: {  	s6 =	simm.s32 $0x180  }
0x81: {  	[tilespmem:s24], [sflag:$0x4] =	stream.indirect.gather [hbm4b:s1+s12], $0x40, s6, s12, $0xb8;
	[tilespmem:$0x16F00] =	vst v63  }
0x82: {  	_ =	swait.ge [sflag:s20], $0x2000  }
0x83: {  	[sflag:s20] =	ssyncset.done $0x0  }
0x84: {  	s6 =	simm.s32 $0x2780;
	[sflag:s20] =	ssyncadd.s32 $0xFFFFE000  }
0x85: {  	[spmem:s3] =	stream.indirect.scatter.add.bf16 [tilespmem:s31], [sflag:$0x5], $0x40, s6, s12, $0xb8;
	[tilespmem:$0x16F00] =	vst v63  }
0x86: {  	_ =	swait.ge [sflag:s2], $0x2000  }
0x87: {  	[sflag:s2] =	ssyncset.done $0x0  }
0x88: {  	s6 =	simm.s32 $0x200;
	[sflag:s2] =	ssyncadd.s32 $0xFFFFE000  }
0x89: {  	[tilespmem:s31], [sflag:$0x1] =	stream.indirect.gather [hbm4b:s1+s12], $0x40, s6, s12, $0xb8;
	[tilespmem:$0x16F00] =	vst v63  }
0x8a: {  	_ =	swait.ge [sflag:s0], $0x2000  }
0x8b: {  	[sflag:s0] =	ssyncset.done $0x0  }
0x8c: {  	s6 =	simm.s32 $0x2800;
	[sflag:s0] =	ssyncadd.s32 $0xFFFFE000  }
0x8d: {  	[spmem:s3] =	stream.indirect.scatter.add.bf16 [tilespmem:s14], [sflag:$0x5], $0x40, s6, s12, $0xb8;
	[tilespmem:$0x16F00] =	vst v63  }
0x8e: {  	_ =	swait.ge [sflag:s2], $0x2000  }
0x8f: {  	[sflag:s2] =	ssyncset.done $0x0  }
0x90: {  	s6 =	simm.s32 $0x280;
	[sflag:s2] =	ssyncadd.s32 $0xFFFFE000  }
0x91: {  	[tilespmem:s14], [sflag:$0x2] =	stream.indirect.gather [hbm4b:s1+s12], $0x40, s6, s12, $0xb8;
	[tilespmem:$0x16F00] =	vst v63  }
0x92: {  	_ =	swait.ge [sflag:s26], $0x2000  }
0x93: {  	[sflag:s26] =	ssyncset.done $0x0  }
0x94: {  	s6 =	simm.s32 $0x2880;
	[sflag:s26] =	ssyncadd.s32 $0xFFFFE000  }
0x95: {  	[spmem:s3] =	stream.indirect.scatter.add.bf16 [tilespmem:s22], [sflag:$0x5], $0x40, s6, s12, $0xb8;
	[tilespmem:$0x16F00] =	vst v63  }
0x96: {  	_ =	swait.ge [sflag:s2], $0x2000  }
0x97: {  	[sflag:s2] =	ssyncset.done $0x0  }
0x98: {  	s6 =	simm.s32 $0x300;
	[sflag:s2] =	ssyncadd.s32 $0xFFFFE000  }
0x99: {  	[tilespmem:s22], [sflag:$0x3] =	stream.indirect.gather [hbm4b:s1+s12], $0x40, s6, s12, $0xb8;
	[tilespmem:$0x16F00] =	vst v63  }
0x9a: {  	_ =	swait.ge [sflag:s28], $0x2000  }
0x9b: {  	[sflag:s28] =	ssyncset.done $0x0  }
0x9c: {  	s6 =	simm.s32 $0x2900;
	[sflag:s28] =	ssyncadd.s32 $0xFFFFE000  }
0x9d: {  	[spmem:s3] =	stream.indirect.scatter.add.bf16 [tilespmem:s24], [sflag:$0x5], $0x40, s6, s12, $0xb8;
	[tilespmem:$0x16F00] =	vst v63  }
0x9e: {  	_ =	swait.ge [sflag:s2], $0x2000  }
0x9f: {  	[sflag:s2] =	ssyncset.done $0x0  }
0xa0: {  	s30 =	simm.s32 $0x800;
	s5 =	simm.s32 $0x380;
	[sflag:s2] =	ssyncadd.s32 $0xFFFFE000  }
.LBB2_7:
0xa1: {  	[tilespmem:s24], [sflag:$0x4] =	stream.indirect.gather [hbm4b:s1+s12], $0x40, s5, s12, $0xb8;
	[tilespmem:$0x16F00] =	vst v63  }
0xa2: {  	s5 =	smov.u32 s30  }
0xa3: {  	p2 =	sne.s32 s30, $0x8800;
	s30 =	sadd.s32 $0x800, s30;
	_ =	swait.ge [sflag:s20], $0x2000  }
0xa4: {  	s5 =	sshra.s32 s5, $0x2;
	[sflag:s20] =	ssyncset.done $0x0  }
0xa5: {  	s6 =	sadd.s32 $0x2780, s5;
	[sflag:s20] =	ssyncadd.s32 $0xFFFFE000  }
0xa6: {  	[spmem:s3] =	stream.indirect.scatter.add.bf16 [tilespmem:s31], [sflag:$0x5], $0x40, s6, s12, $0xb8;
	[tilespmem:$0x16F00] =	vst v63  }
0xa7: {  	_ =	swait.ge [sflag:s2], $0x2000  }
0xa8: {  	[sflag:s2] =	ssyncset.done $0x0  }
0xa9: {  	s6 =	sadd.s32 $0x200, s5;
	[sflag:s2] =	ssyncadd.s32 $0xFFFFE000  }
0xaa: {  	[tilespmem:s31], [sflag:$0x1] =	stream.indirect.gather [hbm4b:s1+s12], $0x40, s6, s12, $0xb8;
	[tilespmem:$0x16F00] =	vst v63  }
0xab: {  	_ =	swait.ge [sflag:s0], $0x2000  }
0xac: {  	[sflag:s0] =	ssyncset.done $0x0  }
0xad: {  	s6 =	sadd.s32 $0x2800, s5;
	[sflag:s0] =	ssyncadd.s32 $0xFFFFE000  }
0xae: {  	[spmem:s3] =	stream.indirect.scatter.add.bf16 [tilespmem:s14], [sflag:$0x5], $0x40, s6, s12, $0xb8;
	[tilespmem:$0x16F00] =	vst v63  }
0xaf: {  	_ =	swait.ge [sflag:s2], $0x2000  }
0xb0: {  	[sflag:s2] =	ssyncset.done $0x0  }
0xb1: {  	s6 =	sadd.s32 $0x280, s5;
	[sflag:s2] =	ssyncadd.s32 $0xFFFFE000  }
0xb2: {  	[tilespmem:s14], [sflag:$0x2] =	stream.indirect.gather [hbm4b:s1+s12], $0x40, s6, s12, $0xb8;
	[tilespmem:$0x16F00] =	vst v63  }
0xb3: {  	_ =	swait.ge [sflag:s26], $0x2000  }
0xb4: {  	[sflag:s26] =	ssyncset.done $0x0  }
0xb5: {  	s6 =	sadd.s32 $0x2880, s5;
	[sflag:s26] =	ssyncadd.s32 $0xFFFFE000  }
0xb6: {  	[spmem:s3] =	stream.indirect.scatter.add.bf16 [tilespmem:s22], [sflag:$0x5], $0x40, s6, s12, $0xb8;
	[tilespmem:$0x16F00] =	vst v63  }
0xb7: {  	_ =	swait.ge [sflag:s2], $0x2000  }
0xb8: {  	[sflag:s2] =	ssyncset.done $0x0  }
0xb9: {  	s6 =	sadd.s32 $0x300, s5;
	[sflag:s2] =	ssyncadd.s32 $0xFFFFE000  }
0xba: {  	[tilespmem:s22], [sflag:$0x3] =	stream.indirect.gather [hbm4b:s1+s12], $0x40, s6, s12, $0xb8;
	[tilespmem:$0x16F00] =	vst v63  }
0xbb: {  	_ =	swait.ge [sflag:s28], $0x2000  }
0xbc: {  	[sflag:s28] =	ssyncset.done $0x0  }
.Ltmp3:
0xbd: {  	s6 =	sadd.s32 $0x2900, s5;
	[sflag:s28] =	ssyncadd.s32 $0xFFFFE000;
	(pc) =	sbr.rel @p2 .LBB2_7-.Ltmp3, $4  }
0xbe: {  	[spmem:s3] =	stream.indirect.scatter.add.bf16 [tilespmem:s24], [sflag:$0x5], $0x40, s6, s12, $0xb8;
	[tilespmem:$0x16F00] =	vst v63  }
0xbf: {  	_ =	swait.ge [sflag:s2], $0x2000  }
0xc0: {  	[sflag:s2] =	ssyncset.done $0x0  }
0xc1: {  	s5 =	sadd.s32 $0x380, s5;
	[sflag:s2] =	ssyncadd.s32 $0xFFFFE000  }
0xc2: {  	[tilespmem:s24], [sflag:$0x4] =	stream.indirect.gather [hbm4b:s1+s12], $0x40, s5, s12, $0xb8;
	[tilespmem:$0x16F00] =	vst v63  }
0xc3: {  	_ =	swait.ge [sflag:s20], $0x2000  }
0xc4: {  	[sflag:s20] =	ssyncset.done $0x0  }
0xc5: {  	s30 =	simm.s32 $0x4B80;
	[sflag:s20] =	ssyncadd.s32 $0xFFFFE000  }
0xc6: {  	[spmem:s3] =	stream.indirect.scatter.add.bf16 [tilespmem:s31], [sflag:$0x5], $0x40, s30, s12, $0xb8;
	[tilespmem:$0x16F00] =	vst v63  }
0xc7: {  	_ =	swait.ge [sflag:s2], $0x2000  }
0xc8: {  	[sflag:s2] =	ssyncset.done $0x0  }
0xc9: {  	s6 =	simm.s32 $0x2600;
	[sflag:s2] =	ssyncadd.s32 $0xFFFFE000  }
0xca: {  	[tilespmem:s31], [sflag:$0x1] =	stream.indirect.gather [hbm4b:s1+s12], $0x40, s6, s12, $0xb8;
	[tilespmem:$0x16F00] =	vst v63  }
0xcb: {  	_ =	swait.ge [sflag:s0], $0x2000  }
0xcc: {  	[sflag:s0] =	ssyncset.done $0x0  }
0xcd: {  	s30 =	simm.s32 $0x4C00;
	[sflag:s0] =	ssyncadd.s32 $0xFFFFE000  }
0xce: {  	[spmem:s3] =	stream.indirect.scatter.add.bf16 [tilespmem:s14], [sflag:$0x5], $0x40, s30, s12, $0xb8;
	[tilespmem:$0x16F00] =	vst v63  }
0xcf: {  	_ =	swait.ge [sflag:s2], $0x2000  }
0xd0: {  	[sflag:s2] =	ssyncset.done $0x0  }
0xd1: {  	s6 =	simm.s32 $0x2680;
	[sflag:s2] =	ssyncadd.s32 $0xFFFFE000  }
0xd2: {  	[tilespmem:s14], [sflag:$0x2] =	stream.indirect.gather [hbm4b:s1+s12], $0x40, s6, s12, $0xb8;
	[tilespmem:$0x16F00] =	vst v63  }
0xd3: {  	_ =	swait.ge [sflag:s26], $0x2000  }
0xd4: {  	[sflag:s26] =	ssyncset.done $0x0  }
0xd5: {  	s30 =	simm.s32 $0x4C80;
	[sflag:s26] =	ssyncadd.s32 $0xFFFFE000  }
0xd6: {  	[spmem:s3] =	stream.indirect.scatter.add.bf16 [tilespmem:s22], [sflag:$0x5], $0x40, s30, s12, $0xb8;
	[tilespmem:$0x16F00] =	vst v63  }
0xd7: {  	_ =	swait.ge [sflag:s2], $0x2000  }
0xd8: {  	s5 =	simm.s32 @!p1 $0x80;
	[sflag:s2] =	ssyncset.done $0x0  }
0xd9: {  	s6 =	simm.s32 @!p1 $0x2700;
	s30 =	simm.s32 @!p1 $0x8F00;
	[sflag:s2] =	ssyncadd.s32 $0xFFFFE000  }
0xda: {  	[tilespmem:s30], [sflag:$0x3] =	stream.indirect.gather @!p1 [hbm4b:s1+s5], $0x40, s6, s5, $0xb8;
	[tilespmem:$0x16F00] =	vst v63  }
0xdb: {  	_ =	swait.ge [sflag:s28], $0x2000  }
0xdc: {  	[sflag:s28] =	ssyncset.done $0x0  }
0xdd: {  	s6 =	simm.s32 $0x4D00;
	[sflag:s28] =	ssyncadd.s32 $0xFFFFE000  }
0xde: {  	[spmem:s3] =	stream.indirect.scatter.add.bf16 [tilespmem:s24], [sflag:$0x5], $0x40, s6, s12, $0xb8;
	[tilespmem:$0x16F00] =	vst v63  }
0xdf: {  	_ =	swait.ge [sflag:s2], $0x2000  }
0xe0: {  	[sflag:s2] =	ssyncset.done $0x0  }
0xe1: {  	[sflag:s2] =	ssyncadd.s32 $0xFFFFE000  }
0xe2: {  	_ =	swait.ge [sflag:s20], $0x2000  }
0xe3: {  	[sflag:s20] =	ssyncset.done $0x0  }
0xe4: {  	s6 =	simm.s32 $0x4D80;
	[sflag:s20] =	ssyncadd.s32 $0xFFFFE000  }
0xe5: {  	[spmem:s3] =	stream.indirect.scatter.add.bf16 [tilespmem:s31], [sflag:$0x5], $0x40, s6, s12, $0xb8;
	[tilespmem:$0x16F00] =	vst v63  }
0xe6: {  	_ =	swait.ge [sflag:s2], $0x2000  }
0xe7: {  	[sflag:s2] =	ssyncset.done $0x0  }
0xe8: {  	[sflag:s2] =	ssyncadd.s32 $0xFFFFE000  }
0xe9: {  	_ =	swait.ge [sflag:s0], $0x2000  }
0xea: {  	[sflag:s0] =	ssyncset.done $0x0  }
0xeb: {  	s6 =	simm.s32 $0x4E00;
	[sflag:s0] =	ssyncadd.s32 $0xFFFFE000  }
0xec: {  	[spmem:s3] =	stream.indirect.scatter.add.bf16 [tilespmem:s14], [sflag:$0x5], $0x40, s6, s12, $0xb8;
	[tilespmem:$0x16F00] =	vst v63  }
0xed: {  	_ =	swait.ge [sflag:s2], $0x2000  }
0xee: {  	[sflag:s2] =	ssyncset.done $0x0  }
0xef: {  	s6 =	simm.s32 @!p1 $0x3;
	[sflag:s2] =	ssyncadd.s32 $0xFFFFE000  }
0xf0: {  	_ =	swait.ge @!p1 [sflag:s6], $0x2000  }
0xf1: {  	[sflag:s6] =	ssyncset.done @!p1 $0x0  }
0xf2: {  	[sflag:s6] =	ssyncadd.s32 @!p1 $0xFFFFE000;
	s6 =	simm.s32 @!p1 $0x4E80  }
0xf3: {  	[spmem:s3] =	stream.indirect.scatter.add.bf16 @!p1 [tilespmem:s30], [sflag:$0x5], $0x40, s6, s5, $0xb8;
	[tilespmem:$0x16F00] =	vst v63  }
0xf4: {  	s5 =	simm.s32 @!p1 $0x5  }
0xf5: {  	_ =	swait.ge @!p1 [sflag:s5], $0x2000  }
0xf6: {  	s6 =	stileid.u32;
	[sflag:s5] =	ssyncset.done @!p1 $0x0  }
0xf7: {  	[sflag:s5] =	ssyncadd.s32 @!p1 $0xFFFFE000;
	s5 =	sshll.u32 s6, $0x6  }
0xf8: {  	s30 =	sshrl.u32 s13, $0x3;
	[bflag:$0x0] =	sbarrier.arrive $0xFFFF;
	s5 =	sor.u32 $0x1C05, s5  }
0xf9: {  	[hbm:s10], [sflag:s5] =	dma.local [spmem:s30], $0x400  }
0xfa: {  	_ =	swait.ge [sflag:s2], $0x400  }
0xfb: {  	[sflag:s2] =	ssyncset.done $0x0  }
0xfc: {  	s30 =	sshrl.u32 s15, $0x3;
	[sflag:s2] =	ssyncadd.s32 $0xFFFFFC00  }
0xfd: {  	[hbm:s16], [sflag:s5] =	dma.local [spmem:s30], $0x400  }
0xfe: {  	_ =	swait.ge [sflag:s2], $0x400  }
0xff: {  	[sflag:s2] =	ssyncset.done $0x0  }
0x100: {  	s30 =	sshrl.u32 s21, $0x3;
	[sflag:s2] =	ssyncadd.s32 $0xFFFFFC00  }
0x101: {  	[hbm:s17], [sflag:s5] =	dma.local [spmem:s30], $0x400  }
0x102: {  	_ =	swait.ge [sflag:s2], $0x400  }
0x103: {  	[sflag:s2] =	ssyncset.done $0x0  }
0x104: {  	s30 =	sshrl.u32 s23, $0x3;
	[sflag:s2] =	ssyncadd.s32 $0xFFFFFC00  }
0x105: {  	[hbm:s18], [sflag:s5] =	dma.local [spmem:s30], $0x400  }
0x106: {  	s29 =	sadd.s32 $0x1, s29;
	_ =	swait.ge [sflag:s2], $0x400  }
0x107: {  	p2 =	sne.s32 s29, s11;
	[sflag:s2] =	ssyncset.done $0x0  }
.Ltmp4:
0x108: {  	s30 =	sshrl.u32 s25, $0x3;
	[sflag:s2] =	ssyncadd.s32 $0xFFFFFC00;
	(pc) =	sbr.rel @p2 .LBB2_1-.Ltmp4, $4  }
0x109: {  	[hbm:s19], [sflag:s5] =	dma.local [spmem:s30], $0x400  }
0x10a: {  	_ =	swait.ge [sflag:s2], $0x400  }
0x10b: {  	[sflag:s2] =	ssyncset.done $0x0  }
0x10c: {  	[sflag:s2] =	ssyncadd.s32 $0xFFFFFC00  }
0x10d: {  	_ =	sfence.sel $0x180000  }
0x10e: {  	[bflag:$0x0] =	sbarrier.arrive $0xFFFF  }
0x10f: {  	_ =	strace $0x9000004A  }
0x110: {  	s0 =	stileid.u32;
	[bflag:$0x2] =	sbarrier.arrive $0xFFFF  }
0x111: {  	p0 =	sne.s32 s0, $0x0;
	s0 =	rddreg [dreg:$0x3]  }
0x112: {  	s0 =	sadd.s32 @!p0 $0x100000, s0  }
0x113: {  	[sflag:s0] =	ssyncadd.tile.s32 @!p0 $0x1;
	_ =	shalt  }
.Lfunc_end2:
_tile_overlayer_lowered:
.L_overlay_start_2:
0x114: {  	(tag) =	ssettag $0x2  }
0x115: {  	s0 =	rddreg [dreg:$0x0];
	s2 =	stileid.u32  }
0x116: {  	s1 =	rddreg [dreg:$0x1];
	p0 =	sne.s32 s2, $0x0  }
0x117: {  	s3 =	rddreg [dreg:$0x2];
	[bflag:$0x3] =	sbarrier.arrive $0xFFFF;
	s2 =	simm.s32 @!p0 $0x1C05  }
0x118: {  	[timem:s3], [sflag:s2] =	dma.local @!p0 [hbm:s0], s1  }
0x119: {  	s0 =	simm.s32 @!p0 $0x5  }
0x11a: {  	_ =	swait.ge @!p0 [sflag:s0], s1  }
0x11b: {  	s1 =	ssub.s32 @!p0 $0x0, s1;
	[sflag:s0] =	ssyncset.done @!p0 $0x0  }
0x11c: {  	[sflag:s0] =	ssyncadd.s32 @!p0 s1  }
0x11d: {  	[bflag:$0x3] =	sbarrier.arrive $0xFFFF  }
0x11e: {  	_ =	shalt  }

// kernel: kernel.7.cloned.1.call-start
scs
__scs_entry_jumppad:
0x0: {  	(pc) =	sbr.rel $0x88, $3  }
0x1: {  	(tag) =	ssettag $0x0;
	lr =	simm.s32 $0x1  }
0x2: {  	[smem:$0x3F9B] =	sst lr;
	_ =	strace $0xD0000000  }
0x3: {  	_ = 	snop  }
0x4: {  	_ = 	snop  }
0x5: {  	_ = 	snop  }
0x6: {  	_ = 	snop  }
0x7: {  	_ = 	snop  }
__scs_overlays_trampoline_lowered:
0x8: {  	[smem:$0x3FAA] =	sst s0  }
0x9: {  	[smem:$0x3FAB] =	sst s1  }
0xa: {  	[smem:$0x3FAC] =	sst s2  }
0xb: {  	[smem:$0x3FAD] =	sst s3  }
0xc: {  	[smem:$0x3FAE] =	sst s4  }
0xd: {  	[smem:$0x3FAF] =	sst s5  }
0xe: {  	[smem:$0x3FB0] =	sst s6  }
0xf: {  	[smem:$0x3FB1] =	sst s7  }
0x10: {  	[smem:$0x3FB2] =	sst s8  }
0x11: {  	[smem:$0x3FB3] =	sst s9;
	s0 =	simm.s32 @!p0 $0x0  }
0x12: {  	s1 =	sld [smem:$0x3F99];
	s0 =	simm.s32 @p0 $0x1  }
0x13: {  	[smem:$0x3FB4] =	sst s0;
	s0 =	simm.s32 @!p1 $0x0  }
0x14: {  	s2 =	sld [smem:$0x3F98];
	s0 =	simm.s32 @p1 $0x1  }
0x15: {  	[smem:$0x3FB5] =	sst s0;
	s0 =	simm.s32 @!p2 $0x0  }
0x16: {  	s3 =	sld [smem:$0x3FDB];
	s0 =	simm.s32 @p2 $0x1  }
0x17: {  	s4 =	simm.s32 $0x1BF5;
	[smem:$0x3FB7] =	sst s0  }
0x18: {  	s0 =	sld [smem:$0x3F9A];
	_ =	swait.ge [sflag:s4], $0x0  }
0x19: {  	s7 =	sld [smem:$0x3F9B]  }
0x1a: {  	s8 =	sadd.s32 $0xFFFFE003, lr  }
0x1b: {  	s9 =	sadd.s32 $0xFFFFFEF7, lr;
	s5 =	simm.s32 $0xFFFFFFFF;
	p2 =	slt.u32 s8, $0xFFFFF086  }
0x1c: {  	p1 =	slt.u32 s9, $0xF7A;
	s5 =	simm.s32 @!p2 $0x0  }
0x1d: {  	s5 =	simm.s32 @p1 $0x1;
	p0 =	seq.s32 s7, s2  }
0x1e: {  	s7 =	smul.u32 @!p0 $0xF7A, s2;
	p2 =	seq.s32 @!p0 s5, $0x0  }
0x1f: {  	s9 =	smul.u32 $0xF7A, s1;
	s8 =	simm.s32 @!p0 $0x1BF5;
	p2 =	por !p2, p0  }
0x20: {  	[sflag:s8] =	ssyncset.s32 @!p0 $0xFFFFF086;
	s6 =	sadd.s32 @!p0 s3, s7;
	s7 =	simm.s32 @!p0 $0x108  }
0x21: {  	s3 =	sadd.s32 s3, s9;
	s6 =	sadd.s32 @!p0 $0x88, s6;
	s7 =	simm.s32 @p2 $0x1082  }
0x22: {  	[simem:s7], [sflag:s8] =	dma.local @!p0 [hbm:s6], $0xF7A  }
0x23: {  	s9 =	sor.u32 $0xD0000000, s2;
	s6 =	simm.s32 $0x108;
	_ =	swait.ge @!p0 [sflag:s8], $0x0  }
0x24: {  	s3 =	sadd.s32 $0x88, s3;
	s6 =	simm.s32 @!p1 $0x1082;
	[sflag:s4] =	ssyncset.s32 $0xFFFFF086  }
0x25: {  	[simem:s6], [sflag:s4] =	dma.local [hbm:s3], $0xF7A  }
0x26: {  	[smem:$0x3F9B] =	sst s1;
	(tag) =	ssettag s2;
	_ =	strace s9  }
0x27: {  	s1 =	sld [smem:$0x3FAB]  }
0x28: {  	s2 =	sld [smem:$0x3FAC]  }
0x29: {  	s4 =	sld [smem:$0x3FAE]  }
0x2a: {  	p0 =	seq.s32 s5, $0x0;
	s5 =	sld [smem:$0x3FAF]  }
0x2b: {  	s6 =	sld [smem:$0x3FB0]  }
0x2c: {  	s7 =	sld [smem:$0x3FB1]  }
0x2d: {  	s3 =	simm.s32 $0x108;
	s8 =	sld [smem:$0x3FB2]  }
0x2e: {  	s3 =	simm.s32 @!p0 $0x1082;
	s9 =	sld [smem:$0x3FB3]  }
0x2f: {  	lr =	sadd.s32 s0, s3;
	s0 =	sld [smem:$0x3FAA]  }
0x30: {  	s3 =	sld [smem:$0x3FAD]  }
0x31: {  	[smem:$0x3FB6] =	sst s10  }
0x32: {  	s10 =	sld [smem:$0x3FB4];
	_ =	sdelay $0x3  }
0x33: {  	p0 =	seq.s32 s10, $0x1;
	s10 =	sld [smem:$0x3FB6];
	_ =	sdelay $0x3  }
0x34: {  	[smem:$0x3FB6] =	sst s10  }
0x35: {  	s10 =	sld [smem:$0x3FB5];
	_ =	sdelay $0x3  }
0x36: {  	p1 =	seq.s32 s10, $0x1;
	s10 =	sld [smem:$0x3FB6];
	_ =	sdelay $0x3  }
0x37: {  	[smem:$0x3FB6] =	sst s10  }
0x38: {  	s10 =	sld [smem:$0x3FB7]  }
0x39: {  	_ = 	snop;
	(pc) =	sbr.ind lr, $3  }
0x3a: {  	_ = 	snop  }
0x3b: {  	_ = 	snop  }
0x3c: {  	p2 =	seq.s32 s10, $0x1;
	s10 =	sld [smem:$0x3FB6]  }
0x3d: {  	_ =	shalt  }
0x3e: {  	_ =	shalt  }
0x3f: {  	_ =	shalt  }
0x40: {  	_ =	shalt  }
0x41: {  	_ =	shalt  }
0x42: {  	_ =	shalt  }
0x43: {  	_ =	shalt  }
0x44: {  	_ =	shalt  }
0x45: {  	_ =	shalt  }
0x46: {  	_ =	shalt  }
0x47: {  	_ =	shalt  }
0x48: {  	_ =	shalt  }
0x49: {  	_ =	shalt  }
0x4a: {  	_ =	shalt  }
0x4b: {  	_ =	shalt  }
0x4c: {  	_ =	shalt  }
0x4d: {  	_ =	shalt  }
0x4e: {  	_ =	shalt  }
0x4f: {  	_ =	shalt  }
0x50: {  	_ =	shalt  }
0x51: {  	_ =	shalt  }
0x52: {  	_ =	shalt  }
0x53: {  	_ =	shalt  }
0x54: {  	_ =	shalt  }
0x55: {  	_ =	shalt  }
0x56: {  	_ =	shalt  }
0x57: {  	_ =	shalt  }
0x58: {  	_ =	shalt  }
0x59: {  	_ =	shalt  }
0x5a: {  	_ =	shalt  }
0x5b: {  	_ =	shalt  }
0x5c: {  	_ =	shalt  }
0x5d: {  	_ =	shalt  }
0x5e: {  	_ =	shalt  }
0x5f: {  	_ =	shalt  }
0x60: {  	_ =	shalt  }
0x61: {  	_ =	shalt  }
0x62: {  	_ =	shalt  }
0x63: {  	_ =	shalt  }
0x64: {  	_ =	shalt  }
0x65: {  	_ =	shalt  }
0x66: {  	_ =	shalt  }
0x67: {  	_ =	shalt  }
0x68: {  	_ =	shalt  }
0x69: {  	_ =	shalt  }
0x6a: {  	_ =	shalt  }
0x6b: {  	_ =	shalt  }
0x6c: {  	_ =	shalt  }
0x6d: {  	_ =	shalt  }
0x6e: {  	_ =	shalt  }
0x6f: {  	_ =	shalt  }
0x70: {  	_ =	shalt  }
0x71: {  	_ =	shalt  }
0x72: {  	_ =	shalt  }
0x73: {  	_ =	shalt  }
0x74: {  	_ =	shalt  }
0x75: {  	_ =	shalt  }
0x76: {  	_ =	shalt  }
0x77: {  	_ =	shalt  }
0x78: {  	_ =	shalt  }
0x79: {  	_ =	shalt  }
0x7a: {  	_ =	shalt  }
0x7b: {  	_ =	shalt  }
0x7c: {  	_ =	shalt  }
0x7d: {  	_ =	shalt  }
0x7e: {  	_ =	shalt  }
0x7f: {  	_ =	shalt  }
0x80: {  	_ =	shalt  }
0x81: {  	_ =	shalt  }
0x82: {  	_ =	shalt  }
0x83: {  	_ =	shalt  }
0x84: {  	_ =	shalt  }
0x85: {  	_ =	shalt  }
0x86: {  	_ =	shalt  }
0x87: {  	_ =	shalt  }
.Lfunc_end0:
.L_simem_size_0:
called_computation_lowered:
.L_overlay_start_0:
0x88: {  	s2 =	sld [smem:$0x3FD9]  }
0x89: {  	s3 =	sld [smem:$0x3FFE];
	_ =	sdelay $0x1  }
0x8a: {  	s1 =	srdreg.scid  }
0x8b: {  	s0 =	sand.u32 $0x1, s1  }
0x8c: {  	s17 =	sshll.u32 s0, $0xA;
	s2 =	sadd.s32 s3, s2  }
0x8d: {  	s2 =	sadd.s32 s2, s17  }
0x8e: {  	[smem:$0x3FC2] =	sst s2  }
0x8f: {  	_ = 	snop  }
0x90: {  	s2 =	sld [smem:$0x3FD0];
	(tm) =	ssettm $0x1  }
0x91: {  	s18 =	sld [smem:$0x3FFB];
	_ =	sdelay $0x3  }
0x92: {  	_ =	strace s18  }
0x93: {  	s3 =	sld [smem:$0x3FFC];
	_ =	sdelay $0x3  }
0x94: {  	_ =	strace s3  }
0x95: {  	s3 =	sld [smem:$0x3FFD];
	_ =	sdelay $0x3  }
0x96: {  	_ =	strace s3  }
0x97: {  	_ =	strace $0x8FFFFFFF  }
0x98: {  	s19 =	sld [smem:$0x3FDB];
	_ =	sdelay $0x1  }
0x99: {  	s4 =	simm.s32 $_scs_section_size  }
0x9a: {  	s5 =	simm.s32 $_size__tile_overlayer_lowered;
	s6 =	simm.s32 $_tile_overlayer_lowered  }
0x9b: {  	s22 =	simm.s32 $0x1BFF;
	s21 =	sshll.u32 s6, $0x1;
	s3 =	sadd.s32 s4, s19  }
0x9c: {  	s7 =	simm.s32 $0x0;
	s20 =	sshll.u32 s5, $0x1;
	s5 =	sadd.s32 s21, s3  }
0x9d: {  	[timem:s7], [sflag:s22] =	dma.local [hbm:s5], s20  }
0x9e: {  	_ =	swait.ge [sflag:s22], s20  }
0x9f: {  	s4 =	ssub.s32 $0x0, s20;
	[sflag:s22] =	ssyncset.done $0x0  }
0xa0: {  	[sflag:s22] =	ssyncadd.s32 s4;
	_ =	sdelay $0x1  }
0xa1: {  	s23 =	simm.s32 $0x1B8B  }
0xa2: {  	_ =	swait.ge [sflag:s23], $0x1  }
0xa3: {  	[sflag:s23] =	ssyncset.done $0x0  }
0xa4: {  	s25 =	simm.s32 $0x1B8E;
	s24 =	sld [smem:$0x3FFE];
	[sflag:s23] =	ssyncadd.s32 $0xFFFFFFFF  }
0xa5: {  	s26 =	simm.s32 $execute0_lowered;
	[smem:$0x3FD2] =	sst s25  }
0xa6: {  	s5 =	sshll.u32 s26, $0x1;
	_ =	strace $0x80000046;
	[dreg:$0x1] =	wrdreg $0xFFFFFFFF  }
0xa7: {  	s28 =	simm.s32 $_size_execute0_lowered;
	s3 =	sadd.s32 s3, s5;
	[dreg:$0x0] =	wrdreg $0x0  }
0xa8: {  	s5 =	sshll.u32 s28, $0x1;
	[dreg:$0x2] =	wrdreg s3  }
0xa9: {  	[dreg:$0x3] =	wrdreg s5  }
0xaa: {  	[dreg:$0x4] =	wrdreg $0xC0  }
0xab: {  	_ =	task [dreg:s7], $0x5FFFF  }
0xac: {  	[dreg:$0x1] =	wrdreg $0xFFFFFFFF  }
0xad: {  	[dreg:$0x0] =	wrdreg $0x60  }
0xae: {  	[dreg:$0x2] =	wrdreg s24  }
0xaf: {  	[dreg:$0x3] =	wrdreg s2  }
0xb0: {  	[dreg:$0x4] =	wrdreg $0x62000  }
0xb1: {  	[dreg:$0x5] =	wrdreg $0x9  }
0xb2: {  	_ =	task.clear_ibuf [dreg:s7], $0x6FFFF;
	_ =	strace $0x90000046  }
0xb3: {  	s29 =	simm.s32 $0x9;
	_ =	strace $0x80000048  }
0xb4: {  	_ =	swait.ge [sflag:s29], $0x1  }
0xb5: {  	[sflag:s29] =	ssyncadd.s32 $0xFFFFFFFF  }
0xb6: {  	_ =	strace $0x90000048  }
0xb7: {  	_ =	sfence  }
0xb8: {  	s30 =	sld [smem:$0x0];
	_ =	sdelay $0x2  }
0xb9: {  	s31 =	sshll.u32 s1, $0xD;
	s1 =	sshrl.u32 s1, $0x2  }
0xba: {  	s3 =	sand.u32 $0x4000, s31;
	s1 =	sadd.s32 s1, s30  }
0xbb: {  	s0 =	sor.u32 s3, s0;
	s1 =	sshll.u32 s1, $0x11  }
0xbc: {  	s0 =	sor.u32 s1, s0  }
0xbd: {  	s0 =	sadd.s32 $0x8F2B, s0  }
0xbe: {  	[sflag:s0] =	ssyncadd.remote.s32 $0x1  }
0xbf: {  	_ =	sfence.sel $0xFFFF  }
0xc0: {  	[dreg:$0x0] =	wrdreg $0xFFFFFFFF;
	(pc) =	sbr.abs _section_cstart, $3  }
0xc1: {  	[dreg:$0x1] =	wrdreg $0xFFFFFFFF  }
0xc2: {  	_ =	task.clear_ibuf [dreg:s7], $0x2FFFF;
	_ =	strace $0x9FFFFFFF  }
0xc3: {  	(tm) =	ssettm $0x7FFFFFFF  }
tec
execute0_lowered:
.L_overlay_start_1:
0x0: {  	(tag) =	ssettag $0x1  }
0x1: {  	s4 =	rddreg [dreg:$0x0]  }
0x2: {  	s7 =	rddreg [dreg:$0x1]  }
0x3: {  	s0 =	srdreg.scid;
	s2 =	rddreg [dreg:$0x2];
	s3 =	simm.s32 $0x0  }
0x4: {  	s14 =	simm.s32 $0x2F80;
	s15 =	simm.s32 $0x80;
	s16 =	simm.s32 $0x2780  }
0x5: {  	s17 =	simm.s32 $0x1;
	s18 =	simm.s32 $0x2400;
	s19 =	simm.s32 $0x2480  }
0x6: {  	s20 =	simm.s32 $0x2500;
	s21 =	simm.s32 $0x2580;
	s22 =	simm.s32 $0x2600  }
0x7: {  	s23 =	simm.s32 $0x2680;
	s5 =	sand.u32 $0x1, s0;
	s0 =	stileid.u32  }
0x8: {  	s24 =	simm.s32 $0x3780;
	s25 =	simm.s32 $0x5F80;
	s9 =	smul.u32 $0xA000, s0  }
0x9: {  	[smem:$0x7FF] =	sst s3;
	s1 =	sshll.u32 s5, $0x4;
	s10 =	smul.u32 $0x280, s0  }
0xa: {  	s30 =	ssub.s32 $0x2, s5;
	s5 =	smul.u32 $0x2800, s5;
	s13 =	sor.u32 s0, s1  }
0xb: {  	s26 =	simm.s32 $0x0;
	s1 =	rddreg [dreg:$0x3];
	s6 =	smul.u32 $0x4E, s13  }
0xc: {  	s11 =	sshrl.u32 s30, $0x1;
	_ =	strace $0x80000047;
	s8 =	smin.u32 s13, $0x4  }
0xd: {  	v0 =	vimm.f32 $1.000000000e+00;
	v1 =	vimm.f32 $0.0e+00;
	s9 =	sshrl.u32 s9, $0x2;
	s10 =	sadd.s32 s10, s5;
	s6 =	sadd.s32 s8, s6  }
0xe: {  	vm0 =	vmmov $0x1;
	vm1 =	vmmov $0x3;
	vm2 =	vmmov $0x7;
	p0 =	sgt.u32 s13, $0x3;
	s13 =	simm.s32 $0x2;
	s6 =	sshll.u32 s6, $0x4  }
0xf: {  	vm3 =	vmmov $0xf;
	vm4 =	vmmov $0x1f;
	vm5 =	vmmov $0x3f;
	s31 =	sshrl.u32 s10, $0x3;
	s8 =	ssub.s32 s30, s11;
	s6 =	sadd.s32 s6, s4  }
0x10: {  	vm6 =	vmmov $0x7f;
	vm7 =	vmmov $0xff;
	vm8 =	vmmov $0x1ff;
	s4 =	sadd.s32 $0xB840, s6;
	s5 =	sadd.s32 $0xBD20, s6;
	s6 =	sadd.s32 s9, s2  }
0x11: {  	vm9 =	vmmov $0x3ff;
	vm10 =	vmmov $0x7ff;
	vm11 =	vmmov $0xfff;
	s7 =	sadd.s32 s7, s31;
	s8 =	smax.u32 s8, $0x1;
	s9 =	sadd.s32 $0x800, s6  }
0x12: {  	vm12 =	vmmov $0x1fff;
	vm13 =	vmmov $0x3fff;
	vm14 =	vmmov $0x7fff;
	s10 =	sadd.s32 $0x1000, s6;
	s11 =	sadd.s32 $0x1800, s6;
	s12 =	sadd.s32 $0x2000, s6  }
.LBB2_1:
0x13: {  	s28 =	simm.s32 $0x0  }
.LBB2_2:
0x14: {  	p1 =	sne.s32 s28, $0x1FC0  }
.Ltmp0:
0x15: {  	_ = 	snop;
	(pc) =	sbr.rel @p1 .LBB2_2-.Ltmp0, $3  }
0x16: {  	_ =	sdelay $0x1  }
0x17: {  	s29 =	sshra.s32 s28, $0x2  }
0x18: {  	s28 =	sadd.s32 $0x40, s28;
	[tilespmem:s29+$0x2780] =	vst v0  }
0x19: {  	s28 =	simm.s32 $0x40;
	s29 =	simm.s32 $0x0  }
.LBB2_4:
0x1a: {  	p1 =	sne.s32 s28, $0x1FC0;
	[tilespmem:s29+$0x2F80] =	vst v1;
	s29 =	smov.u32 s28;
	s28 =	sadd.s32 $0x40, s28  }
.Ltmp1:
0x1b: {  	(pc) =	sbr.rel @p1 .LBB2_4-.Ltmp1, $2  }
0x1c: {  	_ =	sdelay $0x2  }
0x1d: {  	s29 =	sshra.s32 s29, $0x2  }
0x1e: {  	[tilespmem:s29+$0x2F80] =	vst v1  }
0x1f: {  	[tilespmem:s3], [sflag:$0x2] =	stream.linear.gather [hbm4b:s4+s3], $0x2700, $0x38;
	[tilespmem:$0x8A00] =	vst v63  }
0x20: {  	_ =	swait.ge [sflag:s13], $0x2700  }
0x21: {  	[sflag:s13] =	ssyncset.done $0x0  }
0x22: {  	s28 =	simm.s32 @!p0 $0x0;
	s29 =	simm.s32 @!p0 $0x2700;
	[sflag:s13] =	ssyncadd.s32 $0xFFFFD900  }
0x23: {  	[tilespmem:s29], [sflag:$0x2] =	stream.linear.gather @!p0 [hbm4b:s5+s28], $0x80, $0x38;
	[tilespmem:$0x8A00] =	vst v63  }
0x24: {  	s28 =	simm.s32 @!p0 $0x2  }
0x25: {  	_ =	swait.ge @!p0 [sflag:s28], $0x80  }
0x26: {  	[sflag:s28] =	ssyncset.done @!p0 $0x0  }
0x27: {  	[sflag:s28] =	ssyncadd.s32 @!p0 $0xFFFFFF80  }
0x28: {  	[spmem:s6] =	stream.linear.scatter [tilespmem:s14], [sflag:$0x2], $0x800, $0x38;
	[tilespmem:$0x8A00] =	vst v63  }
0x29: {  	_ =	swait.ge [sflag:s13], $0x800  }
0x2a: {  	[sflag:s13] =	ssyncset.done $0x0  }
0x2b: {  	[sflag:s13] =	ssyncadd.s32 $0xFFFFF800  }
0x2c: {  	[spmem:s9] =	stream.linear.scatter [tilespmem:s14], [sflag:$0x2], $0x800, $0x38;
	[tilespmem:$0x8A00] =	vst v63  }
0x2d: {  	_ =	swait.ge [sflag:s13], $0x800  }
0x2e: {  	[sflag:s13] =	ssyncset.done $0x0  }
0x2f: {  	[sflag:s13] =	ssyncadd.s32 $0xFFFFF800  }
0x30: {  	[spmem:s10] =	stream.linear.scatter [tilespmem:s14], [sflag:$0x2], $0x800, $0x38;
	[tilespmem:$0x8A00] =	vst v63  }
0x31: {  	_ =	swait.ge [sflag:s13], $0x800  }
0x32: {  	[sflag:s13] =	ssyncset.done $0x0  }
0x33: {  	[sflag:s13] =	ssyncadd.s32 $0xFFFFF800  }
0x34: {  	[spmem:s11] =	stream.linear.scatter [tilespmem:s14], [sflag:$0x2], $0x800, $0x38;
	[tilespmem:$0x8A00] =	vst v63  }
0x35: {  	_ =	swait.ge [sflag:s13], $0x800  }
0x36: {  	[sflag:s13] =	ssyncset.done $0x0  }
0x37: {  	[sflag:s13] =	ssyncadd.s32 $0xFFFFF800  }
0x38: {  	[spmem:s12] =	stream.linear.scatter [tilespmem:s14], [sflag:$0x2], $0x800, $0x38;
	[tilespmem:$0x8A00] =	vst v63  }
0x39: {  	_ =	swait.ge [sflag:s13], $0x800  }
0x3a: {  	[sflag:s13] =	ssyncset.done $0x0  }
0x3b: {  	[sflag:s13] =	ssyncadd.s32 $0xFFFFF800  }
0x3c: {  	s28 =	simm.s32 $0x0;
	[bflag:$0x0] =	sbarrier.arrive $0xFFFF  }
0x3d: {  	[spmem:s2] =	stream.indirect.scatter.add.f32 [tilespmem:s16], [sflag:$0x1], $0x10, s28, s15, $0xb8;
	[tilespmem:$0x8A00] =	vst v63  }
0x3e: {  	s28 =	simm.s32 $0x80  }
0x3f: {  	[spmem:s2] =	stream.indirect.scatter.add.f32 [tilespmem:s16], [sflag:$0x1], $0x10, s28, s15, $0xb8;
	[tilespmem:$0x8A00] =	vst v63  }
0x40: {  	s28 =	simm.s32 $0x100  }
0x41: {  	[spmem:s2] =	stream.indirect.scatter.add.f32 [tilespmem:s16], [sflag:$0x1], $0x10, s28, s15, $0xb8;
	[tilespmem:$0x8A00] =	vst v63  }
0x42: {  	s28 =	simm.s32 $0x180  }
0x43: {  	[spmem:s2] =	stream.indirect.scatter.add.f32 [tilespmem:s16], [sflag:$0x1], $0x10, s28, s15, $0xb8;
	[tilespmem:$0x8A00] =	vst v63  }
0x44: {  	s28 =	simm.s32 $0x200  }
0x45: {  	[spmem:s2] =	stream.indirect.scatter.add.f32 [tilespmem:s16], [sflag:$0x1], $0x10, s28, s15, $0xb8;
	[tilespmem:$0x8A00] =	vst v63  }
0x46: {  	s28 =	simm.s32 $0x280  }
0x47: {  	[spmem:s2] =	stream.indirect.scatter.add.f32 [tilespmem:s16], [sflag:$0x1], $0x10, s28, s15, $0xb8;
	[tilespmem:$0x8A00] =	vst v63  }
0x48: {  	s28 =	simm.s32 $0x300  }
0x49: {  	[spmem:s2] =	stream.indirect.scatter.add.f32 [tilespmem:s16], [sflag:$0x1], $0x10, s28, s15, $0xb8;
	[tilespmem:$0x8A00] =	vst v63  }
0x4a: {  	s28 =	simm.s32 $0x380  }
0x4b: {  	[spmem:s2] =	stream.indirect.scatter.add.f32 [tilespmem:s16], [sflag:$0x1], $0x10, s28, s15, $0xb8;
	[tilespmem:$0x8A00] =	vst v63  }
0x4c: {  	_ =	swait.ge [sflag:s17], $0x800  }
0x4d: {  	[sflag:s17] =	ssyncset.done $0x0  }
0x4e: {  	[sflag:s17] =	ssyncadd.s32 $0xFFFFF800  }
0x4f: {  	_ =	swait.ge [sflag:s17], $0x800  }
0x50: {  	[sflag:s17] =	ssyncset.done $0x0  }
0x51: {  	[sflag:s17] =	ssyncadd.s32 $0xFFFFF800  }
0x52: {  	_ =	swait.ge [sflag:s17], $0x800  }
0x53: {  	[sflag:s17] =	ssyncset.done $0x0  }
0x54: {  	[sflag:s17] =	ssyncadd.s32 $0xFFFFF800  }
0x55: {  	_ =	swait.ge [sflag:s17], $0x800  }
0x56: {  	[sflag:s17] =	ssyncset.done $0x0  }
0x57: {  	[sflag:s17] =	ssyncadd.s32 $0xFFFFF800  }
0x58: {  	_ =	swait.ge [sflag:s17], $0x800  }
0x59: {  	[sflag:s17] =	ssyncset.done $0x0  }
0x5a: {  	[sflag:s17] =	ssyncadd.s32 $0xFFFFF800  }
0x5b: {  	_ =	swait.ge [sflag:s17], $0x800  }
0x5c: {  	[sflag:s17] =	ssyncset.done $0x0  }
0x5d: {  	[sflag:s17] =	ssyncadd.s32 $0xFFFFF800  }
0x5e: {  	_ =	swait.ge [sflag:s17], $0x800  }
0x5f: {  	[sflag:s17] =	ssyncset.done $0x0  }
0x60: {  	[sflag:s17] =	ssyncadd.s32 $0xFFFFF800  }
0x61: {  	_ =	swait.ge [sflag:s17], $0x800  }
0x62: {  	s30 =	simm.s32 $0x2000;
	s28 =	simm.s32 $0x1000;
	[sflag:s17] =	ssyncset.done $0x0  }
.LBB2_6:
0x63: {  	s31 =	sshra.s32 s28, $0x2  }
0x64: {  	[sflag:s17] =	ssyncadd.s32 $0xFFFFF800;
	s28 =	smov.u32 s30;
	s29 =	sadd.s32 $0x1000, s30  }
0x65: {  	[spmem:s2] =	stream.indirect.scatter.add.f32 [tilespmem:s16], [sflag:$0x1], $0x10, s31, s15, $0xb8;
	[tilespmem:$0x8A00] =	vst v63  }
0x66: {  	p1 =	sne.s32 s30, $0x8000;
	s30 =	sadd.s32 $0x80, s31  }
0x67: {  	[spmem:s2] =	stream.indirect.scatter.add.f32 [tilespmem:s16], [sflag:$0x1], $0x10, s30, s15, $0xb8;
	[tilespmem:$0x8A00] =	vst v63  }
0x68: {  	s30 =	sadd.s32 $0x100, s31  }
0x69: {  	[spmem:s2] =	stream.indirect.scatter.add.f32 [tilespmem:s16], [sflag:$0x1], $0x10, s30, s15, $0xb8;
	[tilespmem:$0x8A00] =	vst v63  }
0x6a: {  	s30 =	sadd.s32 $0x180, s31  }
0x6b: {  	[spmem:s2] =	stream.indirect.scatter.add.f32 [tilespmem:s16], [sflag:$0x1], $0x10, s30, s15, $0xb8;
	[tilespmem:$0x8A00] =	vst v63  }
0x6c: {  	s30 =	sadd.s32 $0x200, s31  }
0x6d: {  	[spmem:s2] =	stream.indirect.scatter.add.f32 [tilespmem:s16], [sflag:$0x1], $0x10, s30, s15, $0xb8;
	[tilespmem:$0x8A00] =	vst v63  }
0x6e: {  	s30 =	sadd.s32 $0x280, s31  }
0x6f: {  	[spmem:s2] =	stream.indirect.scatter.add.f32 [tilespmem:s16], [sflag:$0x1], $0x10, s30, s15, $0xb8;
	[tilespmem:$0x8A00] =	vst v63  }
0x70: {  	s30 =	sadd.s32 $0x300, s31  }
0x71: {  	[spmem:s2] =	stream.indirect.scatter.add.f32 [tilespmem:s16], [sflag:$0x1], $0x10, s30, s15, $0xb8;
	[tilespmem:$0x8A00] =	vst v63  }
0x72: {  	s30 =	sadd.s32 $0x380, s31  }
0x73: {  	[spmem:s2] =	stream.indirect.scatter.add.f32 [tilespmem:s16], [sflag:$0x1], $0x10, s30, s15, $0xb8;
	[tilespmem:$0x8A00] =	vst v63  }
0x74: {  	_ =	swait.ge [sflag:s17], $0x800  }
0x75: {  	[sflag:s17] =	ssyncset.done $0x0  }
0x76: {  	[sflag:s17] =	ssyncadd.s32 $0xFFFFF800  }
0x77: {  	_ =	swait.ge [sflag:s17], $0x800  }
0x78: {  	[sflag:s17] =	ssyncset.done $0x0  }
0x79: {  	[sflag:s17] =	ssyncadd.s32 $0xFFFFF800  }
0x7a: {  	_ =	swait.ge [sflag:s17], $0x800  }
0x7b: {  	[sflag:s17] =	ssyncset.done $0x0  }
0x7c: {  	[sflag:s17] =	ssyncadd.s32 $0xFFFFF800  }
0x7d: {  	_ =	swait.ge [sflag:s17], $0x800  }
0x7e: {  	[sflag:s17] =	ssyncset.done $0x0  }
0x7f: {  	[sflag:s17] =	ssyncadd.s32 $0xFFFFF800  }
0x80: {  	_ =	swait.ge [sflag:s17], $0x800  }
0x81: {  	[sflag:s17] =	ssyncset.done $0x0  }
0x82: {  	[sflag:s17] =	ssyncadd.s32 $0xFFFFF800  }
0x83: {  	_ =	swait.ge [sflag:s17], $0x800  }
0x84: {  	[sflag:s17] =	ssyncset.done $0x0  }
0x85: {  	[sflag:s17] =	ssyncadd.s32 $0xFFFFF800  }
.Ltmp2:
0x86: {  	_ =	swait.ge [sflag:s17], $0x800;
	(pc) =	sbr.rel @p1 .LBB2_6-.Ltmp2, $4  }
0x87: {  	[sflag:s17] =	ssyncset.done $0x0  }
0x88: {  	[sflag:s17] =	ssyncadd.s32 $0xFFFFF800  }
0x89: {  	_ =	swait.ge [sflag:s17], $0x800  }
0x8a: {  	s30 =	smov.u32 s29;
	[sflag:s17] =	ssyncset.done $0x0  }
0x8b: {  	s28 =	sshra.s32 s28, $0x2;
	[sflag:s17] =	ssyncadd.s32 $0xFFFFF800  }
0x8c: {  	[spmem:s2] =	stream.indirect.scatter.add.f32 [tilespmem:s16], [sflag:$0x1], $0x10, s28, s15, $0xb8;
	[tilespmem:$0x8A00] =	vst v63  }
0x8d: {  	s29 =	sadd.s32 $0x80, s28  }
0x8e: {  	[spmem:s2] =	stream.indirect.scatter.add.f32 [tilespmem:s16], [sflag:$0x1], $0x10, s29, s15, $0xb8;
	[tilespmem:$0x8A00] =	vst v63  }
0x8f: {  	s29 =	sadd.s32 $0x100, s28  }
0x90: {  	[spmem:s2] =	stream.indirect.scatter.add.f32 [tilespmem:s16], [sflag:$0x1], $0x10, s29, s15, $0xb8;
	[tilespmem:$0x8A00] =	vst v63  }
0x91: {  	s29 =	sadd.s32 $0x180, s28  }
0x92: {  	[spmem:s2] =	stream.indirect.scatter.add.f32 [tilespmem:s16], [sflag:$0x1], $0x10, s29, s15, $0xb8;
	[tilespmem:$0x8A00] =	vst v63  }
0x93: {  	s29 =	sadd.s32 $0x200, s28  }
0x94: {  	[spmem:s2] =	stream.indirect.scatter.add.f32 [tilespmem:s16], [sflag:$0x1], $0x10, s29, s15, $0xb8;
	[tilespmem:$0x8A00] =	vst v63  }
0x95: {  	s29 =	sadd.s32 $0x280, s28  }
0x96: {  	[spmem:s2] =	stream.indirect.scatter.add.f32 [tilespmem:s16], [sflag:$0x1], $0x10, s29, s15, $0xb8;
	[tilespmem:$0x8A00] =	vst v63  }
0x97: {  	s29 =	sadd.s32 $0x300, s28  }
0x98: {  	[spmem:s2] =	stream.indirect.scatter.add.f32 [tilespmem:s16], [sflag:$0x1], $0x10, s29, s15, $0xb8;
	[tilespmem:$0x8A00] =	vst v63  }
0x99: {  	s28 =	sadd.s32 $0x380, s28  }
0x9a: {  	[spmem:s2] =	stream.indirect.scatter.add.f32 [tilespmem:s16], [sflag:$0x1], $0x10, s28, s15, $0xb8;
	[tilespmem:$0x8A00] =	vst v63  }
0x9b: {  	_ =	swait.ge [sflag:s17], $0x800  }
0x9c: {  	[sflag:s17] =	ssyncset.done $0x0  }
0x9d: {  	[sflag:s17] =	ssyncadd.s32 $0xFFFFF800  }
0x9e: {  	_ =	swait.ge [sflag:s17], $0x800  }
0x9f: {  	[sflag:s17] =	ssyncset.done $0x0  }
0xa0: {  	[sflag:s17] =	ssyncadd.s32 $0xFFFFF800  }
0xa1: {  	_ =	swait.ge [sflag:s17], $0x800  }
0xa2: {  	[sflag:s17] =	ssyncset.done $0x0  }
0xa3: {  	[sflag:s17] =	ssyncadd.s32 $0xFFFFF800  }
0xa4: {  	_ =	swait.ge [sflag:s17], $0x800  }
0xa5: {  	[sflag:s17] =	ssyncset.done $0x0  }
0xa6: {  	[sflag:s17] =	ssyncadd.s32 $0xFFFFF800  }
0xa7: {  	_ =	swait.ge [sflag:s17], $0x800  }
0xa8: {  	[sflag:s17] =	ssyncset.done $0x0  }
0xa9: {  	[sflag:s17] =	ssyncadd.s32 $0xFFFFF800  }
0xaa: {  	_ =	swait.ge [sflag:s17], $0x800  }
0xab: {  	[sflag:s17] =	ssyncset.done $0x0  }
0xac: {  	[sflag:s17] =	ssyncadd.s32 $0xFFFFF800  }
0xad: {  	_ =	swait.ge [sflag:s17], $0x800  }
0xae: {  	[sflag:s17] =	ssyncset.done $0x0  }
0xaf: {  	[sflag:s17] =	ssyncadd.s32 $0xFFFFF800  }
0xb0: {  	_ =	swait.ge [sflag:s17], $0x800  }
0xb1: {  	[sflag:s17] =	ssyncset.done $0x0  }
0xb2: {  	[sflag:s17] =	ssyncadd.s32 $0xFFFFF800  }
0xb3: {  	[spmem:s2] =	stream.indirect.scatter.add.f32 [tilespmem:s16], [sflag:$0x1], $0x10, s18, s15, $0xb8;
	[tilespmem:$0x8A00] =	vst v63  }
0xb4: {  	_ = 	snop  }
0xb5: {  	[spmem:s2] =	stream.indirect.scatter.add.f32 [tilespmem:s16], [sflag:$0x1], $0x10, s19, s15, $0xb8;
	[tilespmem:$0x8A00] =	vst v63  }
0xb6: {  	_ = 	snop  }
0xb7: {  	[spmem:s2] =	stream.indirect.scatter.add.f32 [tilespmem:s16], [sflag:$0x1], $0x10, s20, s15, $0xb8;
	[tilespmem:$0x8A00] =	vst v63  }
0xb8: {  	_ = 	snop  }
0xb9: {  	[spmem:s2] =	stream.indirect.scatter.add.f32 [tilespmem:s16], [sflag:$0x1], $0x10, s21, s15, $0xb8;
	[tilespmem:$0x8A00] =	vst v63  }
0xba: {  	_ = 	snop  }
0xbb: {  	[spmem:s2] =	stream.indirect.scatter.add.f32 [tilespmem:s16], [sflag:$0x1], $0x10, s22, s15, $0xb8;
	[tilespmem:$0x8A00] =	vst v63  }
0xbc: {  	_ = 	snop  }
0xbd: {  	[spmem:s2] =	stream.indirect.scatter.add.f32 [tilespmem:s16], [sflag:$0x1], $0x10, s23, s15, $0xb8;
	[tilespmem:$0x8A00] =	vst v63  }
0xbe: {  	s30 =	simm.s32 @!p0 $0x2780;
	s29 =	simm.s32 @!p0 $0x2700;
	s28 =	simm.s32 @!p0 $0x80  }
0xbf: {  	[spmem:s2] =	stream.indirect.scatter.add.f32 @!p0 [tilespmem:s30], [sflag:$0x1], $0x10, s29, s28, $0xb8;
	[tilespmem:$0x8A00] =	vst v63  }
0xc0: {  	_ =	swait.ge [sflag:s17], $0x800  }
0xc1: {  	[sflag:s17] =	ssyncset.done $0x0  }
0xc2: {  	[sflag:s17] =	ssyncadd.s32 $0xFFFFF800  }
0xc3: {  	_ =	swait.ge [sflag:s17], $0x800  }
0xc4: {  	[sflag:s17] =	ssyncset.done $0x0  }
0xc5: {  	[sflag:s17] =	ssyncadd.s32 $0xFFFFF800  }
0xc6: {  	_ =	swait.ge [sflag:s17], $0x800  }
0xc7: {  	[sflag:s17] =	ssyncset.done $0x0  }
0xc8: {  	[sflag:s17] =	ssyncadd.s32 $0xFFFFF800  }
0xc9: {  	_ =	swait.ge [sflag:s17], $0x800  }
0xca: {  	[sflag:s17] =	ssyncset.done $0x0  }
0xcb: {  	[sflag:s17] =	ssyncadd.s32 $0xFFFFF800  }
0xcc: {  	_ =	swait.ge [sflag:s17], $0x800  }
0xcd: {  	[sflag:s17] =	ssyncset.done $0x0  }
0xce: {  	[sflag:s17] =	ssyncadd.s32 $0xFFFFF800  }
0xcf: {  	_ =	swait.ge [sflag:s17], $0x800  }
0xd0: {  	[sflag:s17] =	ssyncset.done $0x0  }
0xd1: {  	s28 =	simm.s32 @!p0 $0x1;
	[sflag:s17] =	ssyncadd.s32 $0xFFFFF800  }
0xd2: {  	_ =	swait.ge @!p0 [sflag:s28], $0x800  }
0xd3: {  	[sflag:s28] =	ssyncset.done @!p0 $0x0  }
0xd4: {  	[sflag:s28] =	ssyncadd.s32 @!p0 $0xFFFFF800  }
0xd5: {  	[bflag:$0x0] =	sbarrier.arrive $0xFFFF  }
0xd6: {  	[tilespmem:s24], [sflag:$0x2] =	stream.linear.gather [spmem:s6], $0x2800, $0x38;
	[tilespmem:$0x8A00] =	vst v63  }
0xd7: {  	_ =	swait.ge [sflag:s13], $0x2800  }
0xd8: {  	[sflag:s13] =	ssyncset.done $0x0  }
0xd9: {  	s29 =	simm.s32 $0x3800;
	[sflag:s13] =	ssyncadd.s32 $0xFFFFD800  }
0xda: {  	v2 =	vld [tilespmem:s29+$0xFFFFFF90]  }
0xdb: {  	s30 =	simm.s32 $0x40;
	s28 =	simm.s32 $0x0;
	v3 =	vld [tilespmem:s29+$0xFFFFFF80]  }
.LBB2_8:
0xdc: {  	p1 =	sne.s32 s30, $0x9C0;
	v4 =	vld [tilespmem:s29+$0xFFFFFFA0]  }
0xdd: {  	v5 =	vld [tilespmem:s29+$0xFFFFFFB0]  }
0xde: {  	v6 =	vld [tilespmem:s29+$0xFFFFFFC0]  }
0xdf: {  	v7 =	vld [tilespmem:s29+$0xFFFFFFD0]  }
0xe0: {  	v2 =	vsel vm0, v3, v2;
	v3 =	vld [tilespmem:s29+$0xFFFFFFE0]  }
0xe1: {  	v2 =	vsel vm1, v2, v4;
	v4 =	vld [tilespmem:s29+$0xFFFFFFF0]  }
0xe2: {  	v2 =	vsel vm2, v2, v5;
	v5 =	vld [tilespmem:s29+$0x0]  }
0xe3: {  	v2 =	vsel vm3, v2, v6;
	v6 =	vld [tilespmem:s29+$0x10]  }
0xe4: {  	v2 =	vsel vm4, v2, v7;
	v7 =	vld [tilespmem:s29+$0x20]  }
0xe5: {  	v2 =	vsel vm5, v2, v3;
	v3 =	vld [tilespmem:s29+$0x30]  }
0xe6: {  	v2 =	vsel vm6, v2, v4;
	v4 =	vld [tilespmem:s29+$0x40]  }
0xe7: {  	v2 =	vsel vm7, v2, v5;
	v5 =	vld [tilespmem:s29+$0x50]  }
0xe8: {  	v2 =	vsel vm8, v2, v6;
	v6 =	vld [tilespmem:s29+$0x60]  }
0xe9: {  	v2 =	vsel vm9, v2, v7;
	v7 =	vld [tilespmem:s29+$0x70]  }
0xea: {  	v2 =	vsel vm10, v2, v3  }
0xeb: {  	v2 =	vsel vm11, v2, v4  }
0xec: {  	v2 =	vsel vm12, v2, v5  }
.Ltmp3:
0xed: {  	v2 =	vsel vm13, v2, v6;
	(pc) =	sbr.rel @p1 .LBB2_8-.Ltmp3, $4  }
0xee: {  	s31 =	sshra.s32 s28, $0x2;
	s28 =	smov.u32 s30;
	v2 =	vsel vm14, v2, v7  }
0xef: {  	s29 =	sadd.s32 $0x100, s29;
	[tilespmem:s31+$0x5F80] =	vst v2  }
0xf0: {  	v2 =	vld [tilespmem:s29+$0xFFFFFF90]  }
0xf1: {  	s30 =	sadd.s32 $0x40, s30;
	v3 =	vld [tilespmem:s29+$0xFFFFFF80]  }
0xf2: {  	v4 =	vld [tilespmem:s29+$0xFFFFFFA0]  }
0xf3: {  	v5 =	vld [tilespmem:s29+$0xFFFFFFB0]  }
0xf4: {  	v6 =	vld [tilespmem:s29+$0xFFFFFFC0]  }
0xf5: {  	v7 =	vld [tilespmem:s29+$0xFFFFFFD0]  }
0xf6: {  	v2 =	vsel vm0, v3, v2;
	v3 =	vld [tilespmem:s29+$0xFFFFFFE0]  }
0xf7: {  	v56 =	vld [tilespmem:s29+$0xFFFFFFF0];
	v2 =	vsel vm1, v2, v4  }
0xf8: {  	v57 =	vld [tilespmem:s29+$0x0];
	v2 =	vsel vm2, v2, v5  }
0xf9: {  	v58 =	vld [tilespmem:s29+$0x10];
	v2 =	vsel vm3, v2, v6  }
0xfa: {  	v59 =	vld [tilespmem:s29+$0x20];
	v2 =	vsel vm4, v2, v7  }
0xfb: {  	v2 =	vsel vm5, v2, v3;
	v3 =	vld [tilespmem:s29+$0x30]  }
0xfc: {  	v60 =	vld [tilespmem:s29+$0x40];
	v2 =	vsel vm6, v2, v56  }
0xfd: {  	v61 =	vld [tilespmem:s29+$0x50];
	v2 =	vsel vm7, v2, v57  }
0xfe: {  	v62 =	vld [tilespmem:s29+$0x60];
	v2 =	vsel vm8, v2, v58  }
0xff: {  	v63 =	vld [tilespmem:s29+$0x70];
	v2 =	vsel vm9, v2, v59  }
0x100: {  	v2 =	vsel vm10, v2, v3  }
0x101: {  	v2 =	vsel vm11, v2, v60  }
0x102: {  	v2 =	vsel vm12, v2, v61  }
0x103: {  	s26 =	sadd.s32 $0x1, s26;
	v2 =	vsel vm13, v2, v62  }
0x104: {  	s28 =	sshra.s32 s28, $0x2;
	p1 =	sne.s32 s26, s8;
	v2 =	vsel vm14, v2, v63  }
.Ltmp4:
0x105: {  	[tilespmem:s28+$0x5F80] =	vst v2;
	(pc) =	sbr.rel @p1 .LBB2_1-.Ltmp4, $4  }
0x106: {  	[hbm4b:s7+s3] =	stream.linear.scatter [tilespmem:s25], [sflag:$0x2], $0x280, $0x38;
	[tilespmem:$0x8A00] =	vst v63  }
0x107: {  	_ =	swait.ge [sflag:s13], $0x280  }
0x108: {  	[sflag:s13] =	ssyncset.done $0x0  }
0x109: {  	[sflag:s13] =	ssyncadd.s32 $0xFFFFFD80  }
0x10a: {  	_ =	sfence.sel $0x180000  }
0x10b: {  	[bflag:$0x0] =	sbarrier.arrive $0xFFFF  }
0x10c: {  	p0 =	sne.s32 s0, $0x0;
	_ =	strace $0x90000047  }
0x10d: {  	s0 =	sadd.s32 @!p0 $0x100000, s1;
	[bflag:$0x2] =	sbarrier.arrive $0xFFFF  }
0x10e: {  	[sflag:s0] =	ssyncadd.tile.s32 @!p0 $0x1;
	_ =	shalt  }
.Lfunc_end2:
_tile_overlayer_lowered:
.L_overlay_start_2:
0x10f: {  	(tag) =	ssettag $0x2  }
0x110: {  	s0 =	rddreg [dreg:$0x0];
	s2 =	stileid.u32  }
0x111: {  	s1 =	rddreg [dreg:$0x1];
	p0 =	sne.s32 s2, $0x0  }
0x112: {  	s3 =	rddreg [dreg:$0x2];
	[bflag:$0x3] =	sbarrier.arrive $0xFFFF;
	s2 =	simm.s32 @!p0 $0x1C02  }
0x113: {  	[timem:s3], [sflag:s2] =	dma.local @!p0 [hbm:s0], s1  }
0x114: {  	s0 =	simm.s32 @!p0 $0x2  }
0x115: {  	_ =	swait.ge @!p0 [sflag:s0], s1  }
0x116: {  	s1 =	ssub.s32 @!p0 $0x0, s1;
	[sflag:s0] =	ssyncset.done @!p0 $0x0  }
0x117: {  	[sflag:s0] =	ssyncadd.s32 @!p0 s1  }
0x118: {  	[bflag:$0x3] =	sbarrier.arrive $0xFFFF  }
0x119: {  	_ =	shalt  }

</sc_bundles>
